<compile_context>
chip_gen: v7x
topology: tpu7x:2x2x1
jax: 0.10.2.dev20260603
libtpu: 0.0.44.dev20260713+nightly
codegen_flags: <defaults>
</compile_context>

<pallas_src>
import functools

import jax
import jax.numpy as jnp
from jax import lax
from jax.experimental import pallas as pl
from jax.experimental.pallas import tpu as pltpu
from jax.experimental.pallas import tpu_sc as plsc

N, E, D = 10000, 320000, 128
NC, NS = 2, 16
NW = NC * NS
EPW = E // NW
B = 120
NBP = 84
PADE = NBP * B - EPW
K = 3
NSTEP = NBP // K
NPAD = 10240
RPT = NPAD // NS


@functools.partial(
    pl.kernel,
    out_type=jax.ShapeDtypeStruct((NC, NPAD, D), jnp.float32),
    mesh=plsc.VectorSubcoreMesh(core_axis_name="c", subcore_axis_name="s"),
    scratch_types=(
        [pltpu.VMEM((K, B), jnp.int32)] * 2
        + [pltpu.VMEM((K, B), jnp.int32)] * 2
        + [pltpu.VMEM((B, D), jnp.float32)] * K
        + [pltpu.VMEM_SHARED((NPAD, D), jnp.float32)]
        + [pltpu.SemaphoreType.DMA] * (2 * K + 2)
    ),
)
def _sc_agg(x_hbm, src_hbm, dst_hbm, out_hbm, *rest):
    sidx = rest[0:2]
    didx = rest[2:4]
    rows = rest[4:4 + K]
    acc_sh = rest[4 + K]
    gsem = rest[5 + K:5 + 2 * K]
    ssem = rest[5 + 2 * K:5 + 3 * K]
    isem = rest[5 + 3 * K:7 + 3 * K]

    c = lax.axis_index("c")
    s = lax.axis_index("s")
    wid = s * NC + c

    def fetch_idx(i, p):
        pltpu.async_copy(src_hbm.at[wid, i], sidx[p], isem[p])
        pltpu.async_copy(dst_hbm.at[wid, i], didx[p], isem[p])

    def drain_idx(p):
        pltpu.make_async_copy(src_hbm.at[wid, 0], sidx[p], isem[p]).wait()
        pltpu.make_async_copy(dst_hbm.at[wid, 0], didx[p], isem[p]).wait()

    fetch_idx(0, 0)

    zeros16 = jnp.zeros((16,), jnp.float32)

    def zero_buf(j, carry):
        rows[0][j // (D // 16), pl.ds((j % (D // 16)) * 16, 16)] = zeros16
        return carry

    lax.fori_loop(0, B * (D // 16), zero_buf, 0)
    r0 = s * RPT

    def zero_acc(i, carry):
        pltpu.sync_copy(rows[0], acc_sh.at[pl.ds(r0 + i * B, B)])
        return carry

    nfull = RPT // B
    lax.fori_loop(0, nfull, zero_acc, 0)
    tail = RPT - nfull * B
    pltpu.sync_copy(rows[0].at[pl.ds(0, tail)],
                    acc_sh.at[pl.ds(r0 + nfull * B, tail)])
    plsc.subcore_barrier()

    def step(i, carry):
        p = lax.rem(i, 2)

        def run_set(p):
            drain_idx(p)
            for j in range(K):
                @pl.when(i > 0)
                def _(j=j, p=p):
                    pltpu.make_async_copy(
                        rows[j], acc_sh.at[didx[p].at[j]], ssem[j]).wait()

            @pl.when(i + 1 < NSTEP)
            def _prefetch():
                fetch_idx(i + 1, 1 - p)

            gd = [
                pltpu.async_copy(x_hbm.at[sidx[p].at[j]], rows[j], gsem[j])
                for j in range(K)
            ]
            for j in range(K):
                gd[j].wait()
                pltpu.async_copy(
                    rows[j], acc_sh.at[didx[p].at[j]], ssem[j], add=True)

        @pl.when(p == 0)
        def _():
            run_set(0)

        @pl.when(p == 1)
        def _():
            run_set(1)

        return carry

    lax.fori_loop(0, NSTEP, step, 0)
    for j in range(K):
        pltpu.make_async_copy(
            rows[j], acc_sh.at[didx[0].at[j]], ssem[j]).wait()
    plsc.subcore_barrier()

    pltpu.sync_copy(acc_sh.at[pl.ds(r0, RPT)], out_hbm.at[c, pl.ds(r0, RPT)])


def _mlp_body(x_ref, p_ref, w1_ref, b1_ref, w2_ref, b2_ref, o_ref):
    h = x_ref[...] + p_ref[0] + p_ref[1]
    h1 = jnp.dot(h, w1_ref[...], preferred_element_type=jnp.float32)
    h1 = jnp.maximum(h1 + b1_ref[...], 0.0)
    o_ref[...] = (
        jnp.dot(h1, w2_ref[...], preferred_element_type=jnp.float32)
        + b2_ref[...]
    )


_ROWS_BLK = 1000


def _mlp(x, partials, W1, b1, W2, b2):
    grid = (N // _ROWS_BLK,)
    return pl.pallas_call(
        _mlp_body,
        grid=grid,
        in_specs=[
            pl.BlockSpec((_ROWS_BLK, D), lambda i: (i, 0)),
            pl.BlockSpec((NC, _ROWS_BLK, D), lambda i: (0, i, 0)),
            pl.BlockSpec((D, D), lambda i: (0, 0)),
            pl.BlockSpec((1, D), lambda i: (0, 0)),
            pl.BlockSpec((D, D), lambda i: (0, 0)),
            pl.BlockSpec((1, D), lambda i: (0, 0)),
        ],
        out_specs=pl.BlockSpec((_ROWS_BLK, D), lambda i: (i, 0)),
        out_shape=jax.ShapeDtypeStruct((N, D), jnp.float32),
    )(x, partials, W1, b1, W2, b2)


def kernel(x, edge_index, W1, b1, W2, b2):
    src = edge_index[0].reshape(NW, EPW)
    dst = edge_index[1].reshape(NW, EPW)
    src = jnp.concatenate(
        [src, jnp.zeros((NW, PADE), jnp.int32)], axis=1
    ).reshape(NW, NSTEP, K, B)
    pad_dst = jnp.broadcast_to(
        N + (jnp.arange(PADE, dtype=jnp.int32) % (NPAD - N)), (NW, PADE))
    dst = jnp.concatenate([dst, pad_dst], axis=1).reshape(NW, NSTEP, K, B)
    partials = _sc_agg(x, src, dst)
    return _mlp(x, partials, W1, b1.reshape(1, D), W2, b2.reshape(1, D))

# --- scband reference (transcript-rebuilt; emitter-appended) ---
"""Pipeline reference for scband-ginlayer-37220186587483 (READ-ONLY COPY).

The authoritative reference and input builder live on the scoring server;
editing this copy changes nothing except your own understanding.
"""

import jax, jax.numpy as jnp
import numpy as np

N, E, D = 10000, 320000, 128

def setup_inputs(seed: int = 0) -> dict:
    key = jax.random.key(seed)
    k1, k2, k3, k4, k5, k6 = jax.random.split(key, 6)
    x = jax.random.normal(k1, (N, D), dtype=jnp.float32)
    edge_index = jax.random.randint(k2, (2, E), 0, N, dtype=jnp.int32)
    W1 = jax.random.normal(k3, (D, D), dtype=jnp.float32) * (1.0 / np.sqrt(D))
    b1 = jax.random.normal(k4, (D,), dtype=jnp.float32) * 0.01
    W2 = jax.random.normal(k5, (D, D), dtype=jnp.float32) * (1.0 / np.sqrt(D))
    b2 = jax.random.normal(k6, (D,), dtype=jnp.float32) * 0.01
    return {"x": x, "edge_index": edge_index, "W1": W1, "b1": b1, "W2": W2, "b2": b2}

def reference(x, edge_index, W1, b1, W2, b2):
    # GINConv (eps=0): out = mlp((1+eps)*x + sum_{j in N(i)} x_j)
    src = edge_index[0]
    dst = edge_index[1]
    msgs = jnp.take(x, src, axis=0)
    agg = jax.ops.segment_sum(msgs, dst, num_segments=x.shape[0])
    h = x + agg
    h = jnp.maximum(h @ W1 + b1, 0.0)
    out = h @ W2 + b2
    return out

if __name__ == "__main__":
    import jax
    _d = setup_inputs()
    print(jax.jit(kernel)(*tuple(_d.values())))

</pallas_src>

<mosaic_0001>
#map = affine_map<(d0, d1) -> (0, 0)>
#map1 = affine_map<(d0, d1) -> (0, 0, 0, 0)>
#map2 = affine_map<(d0, d1) -> (0, 0, 0)>
module attributes {stable_mosaic.version = 14 : i64} {
  func.func @_sc_agg(%arg0: i32, %arg1: i32, %arg2: memref<10000x128xf32, #tpu.memory_space<hbm>>, %arg3: memref<32x28x3x120xi32, #tpu.memory_space<hbm>>, %arg4: memref<32x28x3x120xi32, #tpu.memory_space<hbm>>, %arg5: memref<2x10240x128xf32, #tpu.memory_space<hbm>>, %arg6: memref<3x120xi32, #tpu.memory_space<vmem>>, %arg7: memref<3x120xi32, #tpu.memory_space<vmem>>, %arg8: memref<3x120xi32, #tpu.memory_space<vmem>>, %arg9: memref<3x120xi32, #tpu.memory_space<vmem>>, %arg10: memref<120x128xf32, #tpu.memory_space<vmem>>, %arg11: memref<120x128xf32, #tpu.memory_space<vmem>>, %arg12: memref<120x128xf32, #tpu.memory_space<vmem>>, %arg13: memref<10240x128xf32, #tpu.memory_space<vmem_shared>>, %arg14: memref<!tpu.dma_semaphore, #tpu.memory_space<semaphore_mem>>, %arg15: memref<!tpu.dma_semaphore, #tpu.memory_space<semaphore_mem>>, %arg16: memref<!tpu.dma_semaphore, #tpu.memory_space<semaphore_mem>>, %arg17: memref<!tpu.dma_semaphore, #tpu.memory_space<semaphore_mem>>, %arg18: memref<!tpu.dma_semaphore, #tpu.memory_space<semaphore_mem>>, %arg19: memref<!tpu.dma_semaphore, #tpu.memory_space<semaphore_mem>>, %arg20: memref<!tpu.dma_semaphore, #tpu.memory_space<semaphore_mem>>, %arg21: memref<!tpu.dma_semaphore, #tpu.memory_space<semaphore_mem>>) attributes {dimension_semantics = [#tpu.dimension_semantics<core_parallel>, #tpu.dimension_semantics<subcore_parallel>], iteration_bounds = array<i64: 2, 16>, scalar_prefetch = 0 : i64, scratch_operands = 16 : i64, tpu.core_type = #tpu.core_type<sc_vector_subcore>, window_params = [{transform_indices = #map}, {transform_indices = #map1}, {transform_indices = #map1}, {transform_indices = #map2}]} {
    %mul3A = arith.constant 2 : i32
    %mul3A_0 = arith.muli %arg1, %mul3A : i32
    %add3A = arith.addi %mul3A_0, %arg0 : i32
    %dma_start3A = arith.constant 0 : i32
    %dma_start3A_1 = arith.constant 0 : i32
    %dma_start3A_2 = arith.constant 0 : i32
    %dma_start3A_3 = tpu.memref_slice %arg3[%add3A, %dma_start3A, %dma_start3A_1, %dma_start3A_2] : memref<32x28x3x120xi32, #tpu.memory_space<hbm>> -> memref<1x1x3x120xi32, #tpu.memory_space<hbm>>
    %dma_start3A_4 = tpu.memref_squeeze %dma_start3A_3 : memref<1x1x3x120xi32, #tpu.memory_space<hbm>> -> memref<3x120xi32, #tpu.memory_space<hbm>>
    %dma_start3A_5 = arith.constant 0 : i32
    %dma_start3A_6 = arith.constant 0 : i32
    %dma_start3A_7 = tpu.memref_slice %arg3[%add3A, %dma_start3A, %dma_start3A_5, %dma_start3A_6] : memref<32x28x3x120xi32, #tpu.memory_space<hbm>> -> memref<1x1x3x120xi32, #tpu.memory_space<hbm>>
    %dma_start3A_8 = tpu.memref_squeeze %dma_start3A_7 : memref<1x1x3x120xi32, #tpu.memory_space<hbm>> -> memref<3x120xi32, #tpu.memory_space<hbm>>
    tpu.enqueue_dma source(%dma_start3A_8 : memref<3x120xi32, #tpu.memory_space<hbm>>) target(%arg6 : memref<3x120xi32, #tpu.memory_space<vmem>>) target_semaphore(%arg20 : memref<!tpu.dma_semaphore, #tpu.memory_space<semaphore_mem>>)
    %dma_start3A_9 = arith.constant 0 : i32
    %dma_start3A_10 = arith.constant 0 : i32
    %dma_start3A_11 = arith.constant 0 : i32
    %dma_start3A_12 = tpu.memref_slice %arg4[%add3A, %dma_start3A_9, %dma_start3A_10, %dma_start3A_11] : memref<32x28x3x120xi32, #tpu.memory_space<hbm>> -> memref<1x1x3x120xi32, #tpu.memory_space<hbm>>
    %dma_start3A_13 = tpu.memref_squeeze %dma_start3A_12 : memref<1x1x3x120xi32, #tpu.memory_space<hbm>> -> memref<3x120xi32, #tpu.memory_space<hbm>>
    %dma_start3A_14 = arith.constant 0 : i32
    %dma_start3A_15 = arith.constant 0 : i32
    %dma_start3A_16 = tpu.memref_slice %arg4[%add3A, %dma_start3A_9, %dma_start3A_14, %dma_start3A_15] : memref<32x28x3x120xi32, #tpu.memory_space<hbm>> -> memref<1x1x3x120xi32, #tpu.memory_space<hbm>>
    %dma_start3A_17 = tpu.memref_squeeze %dma_start3A_16 : memref<1x1x3x120xi32, #tpu.memory_space<hbm>> -> memref<3x120xi32, #tpu.memory_space<hbm>>
    tpu.enqueue_dma source(%dma_start3A_17 : memref<3x120xi32, #tpu.memory_space<hbm>>) target(%arg8 : memref<3x120xi32, #tpu.memory_space<vmem>>) target_semaphore(%arg20 : memref<!tpu.dma_semaphore, #tpu.memory_space<semaphore_mem>>)
    %broadcast_in_dim3A = arith.constant 0.000000e+00 : f32
    %broadcast_in_dim3A_18 = vector.broadcast %broadcast_in_dim3A : f32 to vector<16xf32>
    %scan3A = arith.constant 0 : i32
    %scan3A_19 = arith.constant 0 : i32
    %scan3A_20 = arith.constant 960 : i32
    %scan3A_21 = arith.addi %scan3A_19, %scan3A_20 : i32
    %scan3A_22 = arith.constant 1 : i32
    scf.for %scan3A_61 = %scan3A_19 to %scan3A_21 step %scan3A_22  : i32 {
      %jit3A = arith.constant 8 : i32
      %div3A = arith.divsi %scan3A_61, %jit3A : i32
      %sign3A = arith.constant 0 : i32
      %sign3A_62 = arith.cmpi sgt, %scan3A_61, %sign3A : i32
      %sign3A_63 = arith.extui %sign3A_62 : i1 to i32
      %sign3A_64 = arith.constant 0 : i32
      %sign3A_65 = arith.cmpi slt, %scan3A_61, %sign3A_64 : i32
      %sign3A_66 = arith.extui %sign3A_65 : i1 to i32
      %sign3A_67 = arith.subi %sign3A_63, %sign3A_66 : i32
      %sign3A_68 = arith.constant 0 : i32
      %sign3A_69 = arith.cmpi sgt, %jit3A, %sign3A_68 : i32
      %sign3A_70 = arith.extui %sign3A_69 : i1 to i32
      %sign3A_71 = arith.constant 0 : i32
      %sign3A_72 = arith.cmpi slt, %jit3A, %sign3A_71 : i32
      %sign3A_73 = arith.extui %sign3A_72 : i1 to i32
      %sign3A_74 = arith.subi %sign3A_70, %sign3A_73 : i32
      %ne3A = arith.cmpi ne, %sign3A_67, %sign3A_74 : i32
      %rem3A = arith.remsi %scan3A_61, %jit3A : i32
      %ne3A_75 = arith.constant 0 : i32
      %ne3A_76 = arith.cmpi ne, %rem3A, %ne3A_75 : i32
      %and3A = arith.andi %ne3A, %ne3A_76 : i1
      %sub3A = arith.constant 1 : i32
      %sub3A_77 = arith.subi %div3A, %sub3A : i32
      %select_n3A = arith.select %and3A, %sub3A_77, %div3A : i32
      %jit3A_78 = arith.constant 8 : i32
      %eq3A = arith.constant 0 : i32
      %eq3A_79 = arith.cmpi eq, %jit3A_78, %eq3A : i32
      %jit3A_80 = arith.constant 1 : i32
      %select_n3A_81 = arith.select %eq3A_79, %jit3A_80, %jit3A_78 : i32
      %rem3A_82 = arith.remsi %scan3A_61, %select_n3A_81 : i32
      %ne3A_83 = arith.constant 0 : i32
      %ne3A_84 = arith.cmpi ne, %rem3A_82, %ne3A_83 : i32
      %lt3A = arith.constant 0 : i32
      %lt3A_85 = arith.cmpi slt, %rem3A_82, %lt3A : i32
      %lt3A_86 = arith.constant 0 : i32
      %lt3A_87 = arith.cmpi slt, %select_n3A_81, %lt3A_86 : i32
      %ne3A_88 = arith.xori %lt3A_85, %lt3A_87 : i1
      %and3A_89 = arith.andi %ne3A_88, %ne3A_84 : i1
      %add3A_90 = arith.addi %rem3A_82, %select_n3A_81 : i32
      %select_n3A_91 = arith.select %and3A_89, %add3A_90, %rem3A_82 : i32
      %mul3A_92 = arith.constant 16 : i32
      %mul3A_93 = arith.muli %select_n3A_91, %mul3A_92 : i32
      %swap3A = arith.index_cast %select_n3A : i32 to index
      %swap3A_94 = arith.index_cast %mul3A_93 : i32 to index
      %swap3A_95 = tpu.vector_load %arg10[%swap3A, %swap3A_94] {strides = array<i32>} : memref<120x128xf32, #tpu.memory_space<vmem>>, vector<1x16xf32>,
      %swap3A_96 = vector.shape_cast %swap3A_95 : vector<1x16xf32> to vector<16xf32>
      %swap3A_97 = vector.shape_cast %broadcast_in_dim3A_18 : vector<16xf32> to vector<1x16xf32>
      tpu.vector_store %arg10[%swap3A, %swap3A_94], %swap3A_97 {strides = array<i32>} : memref<120x128xf32, #tpu.memory_space<vmem>>, vector<1x16xf32>,
    }
    %scan3A_23 = arith.constant 960 : i32
    %mul3A_24 = arith.constant 640 : i32
    %mul3A_25 = arith.muli %arg1, %mul3A_24 : i32
    %scan3A_26 = arith.constant 0 : i32
    %scan3A_27 = arith.constant 0 : i32
    %scan3A_28 = arith.constant 5 : i32
    %scan3A_29 = arith.addi %scan3A_27, %scan3A_28 : i32
    %scan3A_30 = arith.constant 1 : i32
    scf.for %scan3A_61 = %scan3A_27 to %scan3A_29 step %scan3A_30  : i32 {
      %mul3A_62 = arith.constant 120 : i32
      %mul3A_63 = arith.muli %scan3A_61, %mul3A_62 : i32
      %add3A_64 = arith.addi %mul3A_25, %mul3A_63 : i32
      "tpu.region"() ({
        %run_scoped3A = tpu.sem_alloc : memref<!tpu.dma_semaphore, #tpu.memory_space<semaphore_mem>>
        %dma_start3A_65 = arith.constant 0 : i32
        %dma_start3A_66 = tpu.memref_slice %arg13[%add3A_64, %dma_start3A_65] : memref<10240x128xf32, #tpu.memory_space<vmem_shared>> -> memref<120x128xf32, #tpu.memory_space<vmem_shared>>
        %dma_start3A_67 = arith.constant 0 : i32
        %dma_start3A_68 = tpu.memref_slice %arg13[%add3A_64, %dma_start3A_67] : memref<10240x128xf32, #tpu.memory_space<vmem_shared>> -> memref<120x128xf32, #tpu.memory_space<vmem_shared>>
        tpu.enqueue_dma source(%arg10 : memref<120x128xf32, #tpu.memory_space<vmem>>) target(%dma_start3A_68 : memref<120x128xf32, #tpu.memory_space<vmem_shared>>) target_semaphore(%run_scoped3A : memref<!tpu.dma_semaphore, #tpu.memory_space<semaphore_mem>>)
        %dma_wait3A_69 = arith.constant 0 : i32
        %dma_wait3A_70 = tpu.memref_slice %arg13[%add3A_64, %dma_wait3A_69] : memref<10240x128xf32, #tpu.memory_space<vmem_shared>> -> memref<120x128xf32, #tpu.memory_space<vmem_shared>>
        %dma_wait3A_71 = arith.constant 0 : i32
        %dma_wait3A_72 = tpu.memref_slice %arg13[%add3A_64, %dma_wait3A_71] : memref<10240x128xf32, #tpu.memory_space<vmem_shared>> -> memref<120x128xf32, #tpu.memory_space<vmem_shared>>
        tpu.wait_dma2 semaphore(%run_scoped3A : memref<!tpu.dma_semaphore, #tpu.memory_space<semaphore_mem>>) src(%arg10 : memref<120x128xf32, #tpu.memory_space<vmem>>) dst(%dma_wait3A_72 : memref<120x128xf32, #tpu.memory_space<vmem_shared>>)
        tpu.yield
      }) : () -> ()
    }
    %scan3A_31 = arith.constant 5 : i32
    %add3A_32 = arith.constant 600 : i32
    %add3A_33 = arith.addi %mul3A_25, %add3A_32 : i32
    "tpu.region"() ({
      %run_scoped3A = tpu.sem_alloc : memref<!tpu.dma_semaphore, #tpu.memory_space<semaphore_mem>>
      %dma_start3A_61 = arith.constant 0 : i32
      %dma_start3A_62 = arith.constant 0 : i32
      %dma_start3A_63 = tpu.memref_slice %arg10[%dma_start3A_61, %dma_start3A_62] : memref<120x128xf32, #tpu.memory_space<vmem>> -> memref<40x128xf32, #tpu.memory_space<vmem>>
      %dma_start3A_64 = arith.constant 0 : i32
      %dma_start3A_65 = tpu.memref_slice %arg13[%add3A_33, %dma_start3A_64] : memref<10240x128xf32, #tpu.memory_space<vmem_shared>> -> memref<40x128xf32, #tpu.memory_space<vmem_shared>>
      %dma_start3A_66 = arith.constant 0 : i32
      %dma_start3A_67 = tpu.memref_slice %arg13[%add3A_33, %dma_start3A_66] : memref<10240x128xf32, #tpu.memory_space<vmem_shared>> -> memref<40x128xf32, #tpu.memory_space<vmem_shared>>
      %dma_start3A_68 = arith.constant 0 : i32
      %dma_start3A_69 = arith.constant 0 : i32
      %dma_start3A_70 = tpu.memref_slice %arg10[%dma_start3A_68, %dma_start3A_69] : memref<120x128xf32, #tpu.memory_space<vmem>> -> memref<40x128xf32, #tpu.memory_space<vmem>>
      tpu.enqueue_dma source(%dma_start3A_70 : memref<40x128xf32, #tpu.memory_space<vmem>>) target(%dma_start3A_67 : memref<40x128xf32, #tpu.memory_space<vmem_shared>>) target_semaphore(%run_scoped3A : memref<!tpu.dma_semaphore, #tpu.memory_space<semaphore_mem>>)
      %dma_wait3A_71 = arith.constant 0 : i32
      %dma_wait3A_72 = arith.constant 0 : i32
      %dma_wait3A_73 = tpu.memref_slice %arg10[%dma_wait3A_71, %dma_wait3A_72] : memref<120x128xf32, #tpu.memory_space<vmem>> -> memref<40x128xf32, #tpu.memory_space<vmem>>
      %dma_wait3A_74 = arith.constant 0 : i32
      %dma_wait3A_75 = tpu.memref_slice %arg13[%add3A_33, %dma_wait3A_74] : memref<10240x128xf32, #tpu.memory_space<vmem_shared>> -> memref<40x128xf32, #tpu.memory_space<vmem_shared>>
      %dma_wait3A_76 = arith.constant 0 : i32
      %dma_wait3A_77 = tpu.memref_slice %arg13[%add3A_33, %dma_wait3A_76] : memref<10240x128xf32, #tpu.memory_space<vmem_shared>> -> memref<40x128xf32, #tpu.memory_space<vmem_shared>>
      %dma_wait3A_78 = arith.constant 0 : i32
      %dma_wait3A_79 = arith.constant 0 : i32
      %dma_wait3A_80 = tpu.memref_slice %arg10[%dma_wait3A_78, %dma_wait3A_79] : memref<120x128xf32, #tpu.memory_space<vmem>> -> memref<40x128xf32, #tpu.memory_space<vmem>>
      tpu.wait_dma2 semaphore(%run_scoped3A : memref<!tpu.dma_semaphore, #tpu.memory_space<semaphore_mem>>) src(%dma_wait3A_80 : memref<40x128xf32, #tpu.memory_space<vmem>>) dst(%dma_wait3A_77 : memref<40x128xf32, #tpu.memory_space<vmem_shared>>)
      tpu.yield
    }) : () -> ()
    %barrier3A = arith.constant 0 : index
    tpu.barrier barrier_id(%barrier3A)
    %scan3A_34 = arith.constant 0 : i32
    %scan3A_35 = arith.constant 0 : i32
    %scan3A_36 = arith.constant 28 : i32
    %scan3A_37 = arith.addi %scan3A_35, %scan3A_36 : i32
    %scan3A_38 = arith.constant 1 : i32
    scf.for %scan3A_61 = %scan3A_35 to %scan3A_37 step %scan3A_38  : i32 {
      %rem3A = arith.constant 2 : i32
      %rem3A_62 = arith.remsi %scan3A_61, %rem3A : i32
      %eq3A = arith.constant 0 : i32
      %eq3A_63 = arith.cmpi eq, %rem3A_62, %eq3A : i32
      %convert_element_type3A = arith.extui %eq3A_63 : i1 to i32
      %cond3A = arith.constant 0 : i32
      %cond3A_64 = arith.cmpi ne, %convert_element_type3A, %cond3A : i32
      scf.if %cond3A_64 {
        %dma_wait3A_70 = arith.constant 0 : i32
        %dma_wait3A_71 = arith.constant 0 : i32
        %dma_wait3A_72 = arith.constant 0 : i32
        %dma_wait3A_73 = tpu.memref_slice %arg3[%add3A, %dma_wait3A_70, %dma_wait3A_71, %dma_wait3A_72] : memref<32x28x3x120xi32, #tpu.memory_space<hbm>> -> memref<1x1x3x120xi32, #tpu.memory_space<hbm>>
        %dma_wait3A_74 = tpu.memref_squeeze %dma_wait3A_73 : memref<1x1x3x120xi32, #tpu.memory_space<hbm>> -> memref<3x120xi32, #tpu.memory_space<hbm>>
        %dma_wait3A_75 = arith.constant 0 : i32
        %dma_wait3A_76 = arith.constant 0 : i32
        %dma_wait3A_77 = tpu.memref_slice %arg3[%add3A, %dma_wait3A_70, %dma_wait3A_75, %dma_wait3A_76] : memref<32x28x3x120xi32, #tpu.memory_space<hbm>> -> memref<1x1x3x120xi32, #tpu.memory_space<hbm>>
        %dma_wait3A_78 = tpu.memref_squeeze %dma_wait3A_77 : memref<1x1x3x120xi32, #tpu.memory_space<hbm>> -> memref<3x120xi32, #tpu.memory_space<hbm>>
        tpu.wait_dma2 semaphore(%arg20 : memref<!tpu.dma_semaphore, #tpu.memory_space<semaphore_mem>>) src(%dma_wait3A_78 : memref<3x120xi32, #tpu.memory_space<hbm>>) dst(%arg6 : memref<3x120xi32, #tpu.memory_space<vmem>>)
        %dma_wait3A_79 = arith.constant 0 : i32
        %dma_wait3A_80 = arith.constant 0 : i32
        %dma_wait3A_81 = arith.constant 0 : i32
        %dma_wait3A_82 = tpu.memref_slice %arg4[%add3A, %dma_wait3A_79, %dma_wait3A_80, %dma_wait3A_81] : memref<32x28x3x120xi32, #tpu.memory_space<hbm>> -> memref<1x1x3x120xi32, #tpu.memory_space<hbm>>
        %dma_wait3A_83 = tpu.memref_squeeze %dma_wait3A_82 : memref<1x1x3x120xi32, #tpu.memory_space<hbm>> -> memref<3x120xi32, #tpu.memory_space<hbm>>
        %dma_wait3A_84 = arith.constant 0 : i32
        %dma_wait3A_85 = arith.constant 0 : i32
        %dma_wait3A_86 = tpu.memref_slice %arg4[%add3A, %dma_wait3A_79, %dma_wait3A_84, %dma_wait3A_85] : memref<32x28x3x120xi32, #tpu.memory_space<hbm>> -> memref<1x1x3x120xi32, #tpu.memory_space<hbm>>
        %dma_wait3A_87 = tpu.memref_squeeze %dma_wait3A_86 : memref<1x1x3x120xi32, #tpu.memory_space<hbm>> -> memref<3x120xi32, #tpu.memory_space<hbm>>
        tpu.wait_dma2 semaphore(%arg20 : memref<!tpu.dma_semaphore, #tpu.memory_space<semaphore_mem>>) src(%dma_wait3A_87 : memref<3x120xi32, #tpu.memory_space<hbm>>) dst(%arg8 : memref<3x120xi32, #tpu.memory_space<vmem>>)
        %gt3A = arith.constant 0 : i32
        %gt3A_88 = arith.cmpi sgt, %scan3A_61, %gt3A : i32
        %convert_element_type3A_89 = arith.extui %gt3A_88 : i1 to i32
        %cond3A_90 = arith.constant 0 : i32
        %cond3A_91 = arith.cmpi ne, %convert_element_type3A_89, %cond3A_90 : i32
        scf.if %cond3A_91 {
          %dma_wait3A_171 = arith.constant 0 : i32
          %dma_wait3A_172 = arith.constant 0 : i32
          %dma_wait3A_173 = tpu.memref_slice %arg8[%dma_wait3A_171, %dma_wait3A_172] : memref<3x120xi32, #tpu.memory_space<vmem>> -> memref<1x120xi32, #tpu.memory_space<vmem>>
          %dma_wait3A_174 = tpu.memref_squeeze %dma_wait3A_173 : memref<1x120xi32, #tpu.memory_space<vmem>> -> memref<120xi32, #tpu.memory_space<vmem>>
          %dma_wait3A_175 = arith.constant 0 : i32
          %dma_wait3A_176 = arith.constant 0 : i32
          %dma_wait3A_177 = tpu.memref_slice %arg13[%dma_wait3A_175, %dma_wait3A_176] : memref<10240x128xf32, #tpu.memory_space<vmem_shared>> -> memref<10240x128xf32, #tpu.memory_space<vmem_shared>>
          tpu.wait_indirect_dma semaphore(%arg17 : memref<!tpu.dma_semaphore, #tpu.memory_space<semaphore_mem>>) src(%arg10 : memref<120x128xf32, #tpu.memory_space<vmem>>) dst(%dma_wait3A_177 : memref<10240x128xf32, #tpu.memory_space<vmem_shared>>)
        } else {
        }
        %gt3A_92 = arith.constant 0 : i32
        %gt3A_93 = arith.cmpi sgt, %scan3A_61, %gt3A_92 : i32
        %convert_element_type3A_94 = arith.extui %gt3A_93 : i1 to i32
        %cond3A_95 = arith.constant 0 : i32
        %cond3A_96 = arith.cmpi ne, %convert_element_type3A_94, %cond3A_95 : i32
        scf.if %cond3A_96 {
          %dma_wait3A_171 = arith.constant 1 : i32
          %dma_wait3A_172 = arith.constant 0 : i32
          %dma_wait3A_173 = tpu.memref_slice %arg8[%dma_wait3A_171, %dma_wait3A_172] : memref<3x120xi32, #tpu.memory_space<vmem>> -> memref<1x120xi32, #tpu.memory_space<vmem>>
          %dma_wait3A_174 = tpu.memref_squeeze %dma_wait3A_173 : memref<1x120xi32, #tpu.memory_space<vmem>> -> memref<120xi32, #tpu.memory_space<vmem>>
          %dma_wait3A_175 = arith.constant 0 : i32
          %dma_wait3A_176 = arith.constant 0 : i32
          %dma_wait3A_177 = tpu.memref_slice %arg13[%dma_wait3A_175, %dma_wait3A_176] : memref<10240x128xf32, #tpu.memory_space<vmem_shared>> -> memref<10240x128xf32, #tpu.memory_space<vmem_shared>>
          tpu.wait_indirect_dma semaphore(%arg18 : memref<!tpu.dma_semaphore, #tpu.memory_space<semaphore_mem>>) src(%arg11 : memref<120x128xf32, #tpu.memory_space<vmem>>) dst(%dma_wait3A_177 : memref<10240x128xf32, #tpu.memory_space<vmem_shared>>)
        } else {
        }
        %gt3A_97 = arith.constant 0 : i32
        %gt3A_98 = arith.cmpi sgt, %scan3A_61, %gt3A_97 : i32
        %convert_element_type3A_99 = arith.extui %gt3A_98 : i1 to i32
        %cond3A_100 = arith.constant 0 : i32
        %cond3A_101 = arith.cmpi ne, %convert_element_type3A_99, %cond3A_100 : i32
        scf.if %cond3A_101 {
          %dma_wait3A_171 = arith.constant 2 : i32
          %dma_wait3A_172 = arith.constant 0 : i32
          %dma_wait3A_173 = tpu.memref_slice %arg8[%dma_wait3A_171, %dma_wait3A_172] : memref<3x120xi32, #tpu.memory_space<vmem>> -> memref<1x120xi32, #tpu.memory_space<vmem>>
          %dma_wait3A_174 = tpu.memref_squeeze %dma_wait3A_173 : memref<1x120xi32, #tpu.memory_space<vmem>> -> memref<120xi32, #tpu.memory_space<vmem>>
          %dma_wait3A_175 = arith.constant 0 : i32
          %dma_wait3A_176 = arith.constant 0 : i32
          %dma_wait3A_177 = tpu.memref_slice %arg13[%dma_wait3A_175, %dma_wait3A_176] : memref<10240x128xf32, #tpu.memory_space<vmem_shared>> -> memref<10240x128xf32, #tpu.memory_space<vmem_shared>>
          tpu.wait_indirect_dma semaphore(%arg19 : memref<!tpu.dma_semaphore, #tpu.memory_space<semaphore_mem>>) src(%arg12 : memref<120x128xf32, #tpu.memory_space<vmem>>) dst(%dma_wait3A_177 : memref<10240x128xf32, #tpu.memory_space<vmem_shared>>)
        } else {
        }
        %add3A_102 = arith.constant 1 : i32
        %add3A_103 = arith.addi %scan3A_61, %add3A_102 : i32
        %lt3A = arith.constant 28 : i32
        %lt3A_104 = arith.cmpi slt, %add3A_103, %lt3A : i32
        %convert_element_type3A_105 = arith.extui %lt3A_104 : i1 to i32
        %cond3A_106 = arith.constant 0 : i32
        %cond3A_107 = arith.cmpi ne, %convert_element_type3A_105, %cond3A_106 : i32
        scf.if %cond3A_107 {
          %add3A_171 = arith.constant 1 : i32
          %add3A_172 = arith.addi %scan3A_61, %add3A_171 : i32
          %dma_start3A_173 = arith.constant 0 : i32
          %dma_start3A_174 = arith.constant 0 : i32
          %dma_start3A_175 = tpu.memref_slice %arg3[%add3A, %add3A_172, %dma_start3A_173, %dma_start3A_174] : memref<32x28x3x120xi32, #tpu.memory_space<hbm>> -> memref<1x1x3x120xi32, #tpu.memory_space<hbm>>
          %dma_start3A_176 = tpu.memref_squeeze %dma_start3A_175 : memref<1x1x3x120xi32, #tpu.memory_space<hbm>> -> memref<3x120xi32, #tpu.memory_space<hbm>>
          %dma_start3A_177 = arith.constant 0 : i32
          %dma_start3A_178 = arith.constant 0 : i32
          %dma_start3A_179 = tpu.memref_slice %arg3[%add3A, %add3A_172, %dma_start3A_177, %dma_start3A_178] : memref<32x28x3x120xi32, #tpu.memory_space<hbm>> -> memref<1x1x3x120xi32, #tpu.memory_space<hbm>>
          %dma_start3A_180 = tpu.memref_squeeze %dma_start3A_179 : memref<1x1x3x120xi32, #tpu.memory_space<hbm>> -> memref<3x120xi32, #tpu.memory_space<hbm>>
          tpu.enqueue_dma source(%dma_start3A_180 : memref<3x120xi32, #tpu.memory_space<hbm>>) target(%arg7 : memref<3x120xi32, #tpu.memory_space<vmem>>) target_semaphore(%arg21 : memref<!tpu.dma_semaphore, #tpu.memory_space<semaphore_mem>>)
          %dma_start3A_181 = arith.constant 0 : i32
          %dma_start3A_182 = arith.constant 0 : i32
          %dma_start3A_183 = tpu.memref_slice %arg4[%add3A, %add3A_172, %dma_start3A_181, %dma_start3A_182] : memref<32x28x3x120xi32, #tpu.memory_space<hbm>> -> memref<1x1x3x120xi32, #tpu.memory_space<hbm>>
          %dma_start3A_184 = tpu.memref_squeeze %dma_start3A_183 : memref<1x1x3x120xi32, #tpu.memory_space<hbm>> -> memref<3x120xi32, #tpu.memory_space<hbm>>
          %dma_start3A_185 = arith.constant 0 : i32
          %dma_start3A_186 = arith.constant 0 : i32
          %dma_start3A_187 = tpu.memref_slice %arg4[%add3A, %add3A_172, %dma_start3A_185, %dma_start3A_186] : memref<32x28x3x120xi32, #tpu.memory_space<hbm>> -> memref<1x1x3x120xi32, #tpu.memory_space<hbm>>
          %dma_start3A_188 = tpu.memref_squeeze %dma_start3A_187 : memref<1x1x3x120xi32, #tpu.memory_space<hbm>> -> memref<3x120xi32, #tpu.memory_space<hbm>>
          tpu.enqueue_dma source(%dma_start3A_188 : memref<3x120xi32, #tpu.memory_space<hbm>>) target(%arg9 : memref<3x120xi32, #tpu.memory_space<vmem>>) target_semaphore(%arg21 : memref<!tpu.dma_semaphore, #tpu.memory_space<semaphore_mem>>)
        } else {
        }
        %dma_start3A_108 = arith.constant 0 : i32
        %dma_start3A_109 = arith.constant 0 : i32
        %dma_start3A_110 = tpu.memref_slice %arg6[%dma_start3A_108, %dma_start3A_109] : memref<3x120xi32, #tpu.memory_space<vmem>> -> memref<1x120xi32, #tpu.memory_space<vmem>>
        %dma_start3A_111 = tpu.memref_squeeze %dma_start3A_110 : memref<1x120xi32, #tpu.memory_space<vmem>> -> memref<120xi32, #tpu.memory_space<vmem>>
        %dma_start3A_112 = arith.constant 0 : i32
        %dma_start3A_113 = arith.constant 0 : i32
        %dma_start3A_114 = tpu.memref_slice %arg2[%dma_start3A_112, %dma_start3A_113] : memref<10000x128xf32, #tpu.memory_space<hbm>> -> memref<10000x128xf32, #tpu.memory_space<hbm>>
        tpu.enqueue_indirect_dma source(%dma_start3A_114 : memref<10000x128xf32, #tpu.memory_space<hbm>>) target(%arg10 : memref<120x128xf32, #tpu.memory_space<vmem>>) offsets(%dma_start3A_111 : memref<120xi32, #tpu.memory_space<vmem>>) semaphore(%arg14 : memref<!tpu.dma_semaphore, #tpu.memory_space<semaphore_mem>>)
        %dma_start3A_115 = arith.constant 1 : i32
        %dma_start3A_116 = arith.constant 0 : i32
        %dma_start3A_117 = tpu.memref_slice %arg6[%dma_start3A_115, %dma_start3A_116] : memref<3x120xi32, #tpu.memory_space<vmem>> -> memref<1x120xi32, #tpu.memory_space<vmem>>
        %dma_start3A_118 = tpu.memref_squeeze %dma_start3A_117 : memref<1x120xi32, #tpu.memory_space<vmem>> -> memref<120xi32, #tpu.memory_space<vmem>>
        %dma_start3A_119 = arith.constant 0 : i32
        %dma_start3A_120 = arith.constant 0 : i32
        %dma_start3A_121 = tpu.memref_slice %arg2[%dma_start3A_119, %dma_start3A_120] : memref<10000x128xf32, #tpu.memory_space<hbm>> -> memref<10000x128xf32, #tpu.memory_space<hbm>>
        tpu.enqueue_indirect_dma source(%dma_start3A_121 : memref<10000x128xf32, #tpu.memory_space<hbm>>) target(%arg11 : memref<120x128xf32, #tpu.memory_space<vmem>>) offsets(%dma_start3A_118 : memref<120xi32, #tpu.memory_space<vmem>>) semaphore(%arg15 : memref<!tpu.dma_semaphore, #tpu.memory_space<semaphore_mem>>)
        %dma_start3A_122 = arith.constant 2 : i32
        %dma_start3A_123 = arith.constant 0 : i32
        %dma_start3A_124 = tpu.memref_slice %arg6[%dma_start3A_122, %dma_start3A_123] : memref<3x120xi32, #tpu.memory_space<vmem>> -> memref<1x120xi32, #tpu.memory_space<vmem>>
        %dma_start3A_125 = tpu.memref_squeeze %dma_start3A_124 : memref<1x120xi32, #tpu.memory_space<vmem>> -> memref<120xi32, #tpu.memory_space<vmem>>
        %dma_start3A_126 = arith.constant 0 : i32
        %dma_start3A_127 = arith.constant 0 : i32
        %dma_start3A_128 = tpu.memref_slice %arg2[%dma_start3A_126, %dma_start3A_127] : memref<10000x128xf32, #tpu.memory_space<hbm>> -> memref<10000x128xf32, #tpu.memory_space<hbm>>
        tpu.enqueue_indirect_dma source(%dma_start3A_128 : memref<10000x128xf32, #tpu.memory_space<hbm>>) target(%arg12 : memref<120x128xf32, #tpu.memory_space<vmem>>) offsets(%dma_start3A_125 : memref<120xi32, #tpu.memory_space<vmem>>) semaphore(%arg16 : memref<!tpu.dma_semaphore, #tpu.memory_space<semaphore_mem>>)
        %dma_wait3A_129 = arith.constant 0 : i32
        %dma_wait3A_130 = arith.constant 0 : i32
        %dma_wait3A_131 = tpu.memref_slice %arg6[%dma_wait3A_129, %dma_wait3A_130] : memref<3x120xi32, #tpu.memory_space<vmem>> -> memref<1x120xi32, #tpu.memory_space<vmem>>
        %dma_wait3A_132 = tpu.memref_squeeze %dma_wait3A_131 : memref<1x120xi32, #tpu.memory_space<vmem>> -> memref<120xi32, #tpu.memory_space<vmem>>
        %dma_wait3A_133 = arith.constant 0 : i32
        %dma_wait3A_134 = arith.constant 0 : i32
        %dma_wait3A_135 = tpu.memref_slice %arg2[%dma_wait3A_133, %dma_wait3A_134] : memref<10000x128xf32, #tpu.memory_space<hbm>> -> memref<10000x128xf32, #tpu.memory_space<hbm>>
        tpu.wait_indirect_dma semaphore(%arg14 : memref<!tpu.dma_semaphore, #tpu.memory_space<semaphore_mem>>) src(%dma_wait3A_135 : memref<10000x128xf32, #tpu.memory_space<hbm>>) dst(%arg10 : memref<120x128xf32, #tpu.memory_space<vmem>>)
        %dma_start3A_136 = arith.constant 0 : i32
        %dma_start3A_137 = arith.constant 0 : i32
        %dma_start3A_138 = tpu.memref_slice %arg8[%dma_start3A_136, %dma_start3A_137] : memref<3x120xi32, #tpu.memory_space<vmem>> -> memref<1x120xi32, #tpu.memory_space<vmem>>
        %dma_start3A_139 = tpu.memref_squeeze %dma_start3A_138 : memref<1x120xi32, #tpu.memory_space<vmem>> -> memref<120xi32, #tpu.memory_space<vmem>>
        %dma_start3A_140 = arith.constant 0 : i32
        %dma_start3A_141 = arith.constant 0 : i32
        %dma_start3A_142 = tpu.memref_slice %arg13[%dma_start3A_140, %dma_start3A_141] : memref<10240x128xf32, #tpu.memory_space<vmem_shared>> -> memref<10240x128xf32, #tpu.memory_space<vmem_shared>>
        tpu.enqueue_indirect_dma source(%arg10 : memref<120x128xf32, #tpu.memory_space<vmem>>) target(%dma_start3A_142 : memref<10240x128xf32, #tpu.memory_space<vmem_shared>>) offsets(%dma_start3A_139 : memref<120xi32, #tpu.memory_space<vmem>>) semaphore(%arg17 : memref<!tpu.dma_semaphore, #tpu.memory_space<semaphore_mem>>) {add = true}
        %dma_wait3A_143 = arith.constant 1 : i32
        %dma_wait3A_144 = arith.constant 0 : i32
        %dma_wait3A_145 = tpu.memref_slice %arg6[%dma_wait3A_143, %dma_wait3A_144] : memref<3x120xi32, #tpu.memory_space<vmem>> -> memref<1x120xi32, #tpu.memory_space<vmem>>
        %dma_wait3A_146 = tpu.memref_squeeze %dma_wait3A_145 : memref<1x120xi32, #tpu.memory_space<vmem>> -> memref<120xi32, #tpu.memory_space<vmem>>
        %dma_wait3A_147 = arith.constant 0 : i32
        %dma_wait3A_148 = arith.constant 0 : i32
        %dma_wait3A_149 = tpu.memref_slice %arg2[%dma_wait3A_147, %dma_wait3A_148] : memref<10000x128xf32, #tpu.memory_space<hbm>> -> memref<10000x128xf32, #tpu.memory_space<hbm>>
        tpu.wait_indirect_dma semaphore(%arg15 : memref<!tpu.dma_semaphore, #tpu.memory_space<semaphore_mem>>) src(%dma_wait3A_149 : memref<10000x128xf32, #tpu.memory_space<hbm>>) dst(%arg11 : memref<120x128xf32, #tpu.memory_space<vmem>>)
        %dma_start3A_150 = arith.constant 1 : i32
        %dma_start3A_151 = arith.constant 0 : i32
        %dma_start3A_152 = tpu.memref_slice %arg8[%dma_start3A_150, %dma_start3A_151] : memref<3x120xi32, #tpu.memory_space<vmem>> -> memref<1x120xi32, #tpu.memory_space<vmem>>
        %dma_start3A_153 = tpu.memref_squeeze %dma_start3A_152 : memref<1x120xi32, #tpu.memory_space<vmem>> -> memref<120xi32, #tpu.memory_space<vmem>>
        %dma_start3A_154 = arith.constant 0 : i32
        %dma_start3A_155 = arith.constant 0 : i32
        %dma_start3A_156 = tpu.memref_slice %arg13[%dma_start3A_154, %dma_start3A_155] : memref<10240x128xf32, #tpu.memory_space<vmem_shared>> -> memref<10240x128xf32, #tpu.memory_space<vmem_shared>>
        tpu.enqueue_indirect_dma source(%arg11 : memref<120x128xf32, #tpu.memory_space<vmem>>) target(%dma_start3A_156 : memref<10240x128xf32, #tpu.memory_space<vmem_shared>>) offsets(%dma_start3A_153 : memref<120xi32, #tpu.memory_space<vmem>>) semaphore(%arg18 : memref<!tpu.dma_semaphore, #tpu.memory_space<semaphore_mem>>) {add = true}
        %dma_wait3A_157 = arith.constant 2 : i32
        %dma_wait3A_158 = arith.constant 0 : i32
        %dma_wait3A_159 = tpu.memref_slice %arg6[%dma_wait3A_157, %dma_wait3A_158] : memref<3x120xi32, #tpu.memory_space<vmem>> -> memref<1x120xi32, #tpu.memory_space<vmem>>
        %dma_wait3A_160 = tpu.memref_squeeze %dma_wait3A_159 : memref<1x120xi32, #tpu.memory_space<vmem>> -> memref<120xi32, #tpu.memory_space<vmem>>
        %dma_wait3A_161 = arith.constant 0 : i32
        %dma_wait3A_162 = arith.constant 0 : i32
        %dma_wait3A_163 = tpu.memref_slice %arg2[%dma_wait3A_161, %dma_wait3A_162] : memref<10000x128xf32, #tpu.memory_space<hbm>> -> memref<10000x128xf32, #tpu.memory_space<hbm>>
        tpu.wait_indirect_dma semaphore(%arg16 : memref<!tpu.dma_semaphore, #tpu.memory_space<semaphore_mem>>) src(%dma_wait3A_163 : memref<10000x128xf32, #tpu.memory_space<hbm>>) dst(%arg12 : memref<120x128xf32, #tpu.memory_space<vmem>>)
        %dma_start3A_164 = arith.constant 2 : i32
        %dma_start3A_165 = arith.constant 0 : i32
        %dma_start3A_166 = tpu.memref_slice %arg8[%dma_start3A_164, %dma_start3A_165] : memref<3x120xi32, #tpu.memory_space<vmem>> -> memref<1x120xi32, #tpu.memory_space<vmem>>
        %dma_start3A_167 = tpu.memref_squeeze %dma_start3A_166 : memref<1x120xi32, #tpu.memory_space<vmem>> -> memref<120xi32, #tpu.memory_space<vmem>>
        %dma_start3A_168 = arith.constant 0 : i32
        %dma_start3A_169 = arith.constant 0 : i32
        %dma_start3A_170 = tpu.memref_slice %arg13[%dma_start3A_168, %dma_start3A_169] : memref<10240x128xf32, #tpu.memory_space<vmem_shared>> -> memref<10240x128xf32, #tpu.memory_space<vmem_shared>>
        tpu.enqueue_indirect_dma source(%arg12 : memref<120x128xf32, #tpu.memory_space<vmem>>) target(%dma_start3A_170 : memref<10240x128xf32, #tpu.memory_space<vmem_shared>>) offsets(%dma_start3A_167 : memref<120xi32, #tpu.memory_space<vmem>>) semaphore(%arg19 : memref<!tpu.dma_semaphore, #tpu.memory_space<semaphore_mem>>) {add = true}
      } else {
      }
      %eq3A_65 = arith.constant 1 : i32
      %eq3A_66 = arith.cmpi eq, %rem3A_62, %eq3A_65 : i32
      %convert_element_type3A_67 = arith.extui %eq3A_66 : i1 to i32
      %cond3A_68 = arith.constant 0 : i32
      %cond3A_69 = arith.cmpi ne, %convert_element_type3A_67, %cond3A_68 : i32
      scf.if %cond3A_69 {
        %dma_wait3A_70 = arith.constant 0 : i32
        %dma_wait3A_71 = arith.constant 0 : i32
        %dma_wait3A_72 = arith.constant 0 : i32
        %dma_wait3A_73 = tpu.memref_slice %arg3[%add3A, %dma_wait3A_70, %dma_wait3A_71, %dma_wait3A_72] : memref<32x28x3x120xi32, #tpu.memory_space<hbm>> -> memref<1x1x3x120xi32, #tpu.memory_space<hbm>>
        %dma_wait3A_74 = tpu.memref_squeeze %dma_wait3A_73 : memref<1x1x3x120xi32, #tpu.memory_space<hbm>> -> memref<3x120xi32, #tpu.memory_space<hbm>>
        %dma_wait3A_75 = arith.constant 0 : i32
        %dma_wait3A_76 = arith.constant 0 : i32
        %dma_wait3A_77 = tpu.memref_slice %arg3[%add3A, %dma_wait3A_70, %dma_wait3A_75, %dma_wait3A_76] : memref<32x28x3x120xi32, #tpu.memory_space<hbm>> -> memref<1x1x3x120xi32, #tpu.memory_space<hbm>>
        %dma_wait3A_78 = tpu.memref_squeeze %dma_wait3A_77 : memref<1x1x3x120xi32, #tpu.memory_space<hbm>> -> memref<3x120xi32, #tpu.memory_space<hbm>>
        tpu.wait_dma2 semaphore(%arg21 : memref<!tpu.dma_semaphore, #tpu.memory_space<semaphore_mem>>) src(%dma_wait3A_78 : memref<3x120xi32, #tpu.memory_space<hbm>>) dst(%arg7 : memref<3x120xi32, #tpu.memory_space<vmem>>)
        %dma_wait3A_79 = arith.constant 0 : i32
        %dma_wait3A_80 = arith.constant 0 : i32
        %dma_wait3A_81 = arith.constant 0 : i32
        %dma_wait3A_82 = tpu.memref_slice %arg4[%add3A, %dma_wait3A_79, %dma_wait3A_80, %dma_wait3A_81] : memref<32x28x3x120xi32, #tpu.memory_space<hbm>> -> memref<1x1x3x120xi32, #tpu.memory_space<hbm>>
        %dma_wait3A_83 = tpu.memref_squeeze %dma_wait3A_82 : memref<1x1x3x120xi32, #tpu.memory_space<hbm>> -> memref<3x120xi32, #tpu.memory_space<hbm>>
        %dma_wait3A_84 = arith.constant 0 : i32
        %dma_wait3A_85 = arith.constant 0 : i32
        %dma_wait3A_86 = tpu.memref_slice %arg4[%add3A, %dma_wait3A_79, %dma_wait3A_84, %dma_wait3A_85] : memref<32x28x3x120xi32, #tpu.memory_space<hbm>> -> memref<1x1x3x120xi32, #tpu.memory_space<hbm>>
        %dma_wait3A_87 = tpu.memref_squeeze %dma_wait3A_86 : memref<1x1x3x120xi32, #tpu.memory_space<hbm>> -> memref<3x120xi32, #tpu.memory_space<hbm>>
        tpu.wait_dma2 semaphore(%arg21 : memref<!tpu.dma_semaphore, #tpu.memory_space<semaphore_mem>>) src(%dma_wait3A_87 : memref<3x120xi32, #tpu.memory_space<hbm>>) dst(%arg9 : memref<3x120xi32, #tpu.memory_space<vmem>>)
        %gt3A = arith.constant 0 : i32
        %gt3A_88 = arith.cmpi sgt, %scan3A_61, %gt3A : i32
        %convert_element_type3A_89 = arith.extui %gt3A_88 : i1 to i32
        %cond3A_90 = arith.constant 0 : i32
        %cond3A_91 = arith.cmpi ne, %convert_element_type3A_89, %cond3A_90 : i32
        scf.if %cond3A_91 {
          %dma_wait3A_171 = arith.constant 0 : i32
          %dma_wait3A_172 = arith.constant 0 : i32
          %dma_wait3A_173 = tpu.memref_slice %arg9[%dma_wait3A_171, %dma_wait3A_172] : memref<3x120xi32, #tpu.memory_space<vmem>> -> memref<1x120xi32, #tpu.memory_space<vmem>>
          %dma_wait3A_174 = tpu.memref_squeeze %dma_wait3A_173 : memref<1x120xi32, #tpu.memory_space<vmem>> -> memref<120xi32, #tpu.memory_space<vmem>>
          %dma_wait3A_175 = arith.constant 0 : i32
          %dma_wait3A_176 = arith.constant 0 : i32
          %dma_wait3A_177 = tpu.memref_slice %arg13[%dma_wait3A_175, %dma_wait3A_176] : memref<10240x128xf32, #tpu.memory_space<vmem_shared>> -> memref<10240x128xf32, #tpu.memory_space<vmem_shared>>
          tpu.wait_indirect_dma semaphore(%arg17 : memref<!tpu.dma_semaphore, #tpu.memory_space<semaphore_mem>>) src(%arg10 : memref<120x128xf32, #tpu.memory_space<vmem>>) dst(%dma_wait3A_177 : memref<10240x128xf32, #tpu.memory_space<vmem_shared>>)
        } else {
        }
        %gt3A_92 = arith.constant 0 : i32
        %gt3A_93 = arith.cmpi sgt, %scan3A_61, %gt3A_92 : i32
        %convert_element_type3A_94 = arith.extui %gt3A_93 : i1 to i32
        %cond3A_95 = arith.constant 0 : i32
        %cond3A_96 = arith.cmpi ne, %convert_element_type3A_94, %cond3A_95 : i32
        scf.if %cond3A_96 {
          %dma_wait3A_171 = arith.constant 1 : i32
          %dma_wait3A_172 = arith.constant 0 : i32
          %dma_wait3A_173 = tpu.memref_slice %arg9[%dma_wait3A_171, %dma_wait3A_172] : memref<3x120xi32, #tpu.memory_space<vmem>> -> memref<1x120xi32, #tpu.memory_space<vmem>>
          %dma_wait3A_174 = tpu.memref_squeeze %dma_wait3A_173 : memref<1x120xi32, #tpu.memory_space<vmem>> -> memref<120xi32, #tpu.memory_space<vmem>>
          %dma_wait3A_175 = arith.constant 0 : i32
          %dma_wait3A_176 = arith.constant 0 : i32
          %dma_wait3A_177 = tpu.memref_slice %arg13[%dma_wait3A_175, %dma_wait3A_176] : memref<10240x128xf32, #tpu.memory_space<vmem_shared>> -> memref<10240x128xf32, #tpu.memory_space<vmem_shared>>
          tpu.wait_indirect_dma semaphore(%arg18 : memref<!tpu.dma_semaphore, #tpu.memory_space<semaphore_mem>>) src(%arg11 : memref<120x128xf32, #tpu.memory_space<vmem>>) dst(%dma_wait3A_177 : memref<10240x128xf32, #tpu.memory_space<vmem_shared>>)
        } else {
        }
        %gt3A_97 = arith.constant 0 : i32
        %gt3A_98 = arith.cmpi sgt, %scan3A_61, %gt3A_97 : i32
        %convert_element_type3A_99 = arith.extui %gt3A_98 : i1 to i32
        %cond3A_100 = arith.constant 0 : i32
        %cond3A_101 = arith.cmpi ne, %convert_element_type3A_99, %cond3A_100 : i32
        scf.if %cond3A_101 {
          %dma_wait3A_171 = arith.constant 2 : i32
          %dma_wait3A_172 = arith.constant 0 : i32
          %dma_wait3A_173 = tpu.memref_slice %arg9[%dma_wait3A_171, %dma_wait3A_172] : memref<3x120xi32, #tpu.memory_space<vmem>> -> memref<1x120xi32, #tpu.memory_space<vmem>>
          %dma_wait3A_174 = tpu.memref_squeeze %dma_wait3A_173 : memref<1x120xi32, #tpu.memory_space<vmem>> -> memref<120xi32, #tpu.memory_space<vmem>>
          %dma_wait3A_175 = arith.constant 0 : i32
          %dma_wait3A_176 = arith.constant 0 : i32
          %dma_wait3A_177 = tpu.memref_slice %arg13[%dma_wait3A_175, %dma_wait3A_176] : memref<10240x128xf32, #tpu.memory_space<vmem_shared>> -> memref<10240x128xf32, #tpu.memory_space<vmem_shared>>
          tpu.wait_indirect_dma semaphore(%arg19 : memref<!tpu.dma_semaphore, #tpu.memory_space<semaphore_mem>>) src(%arg12 : memref<120x128xf32, #tpu.memory_space<vmem>>) dst(%dma_wait3A_177 : memref<10240x128xf32, #tpu.memory_space<vmem_shared>>)
        } else {
        }
        %add3A_102 = arith.constant 1 : i32
        %add3A_103 = arith.addi %scan3A_61, %add3A_102 : i32
        %lt3A = arith.constant 28 : i32
        %lt3A_104 = arith.cmpi slt, %add3A_103, %lt3A : i32
        %convert_element_type3A_105 = arith.extui %lt3A_104 : i1 to i32
        %cond3A_106 = arith.constant 0 : i32
        %cond3A_107 = arith.cmpi ne, %convert_element_type3A_105, %cond3A_106 : i32
        scf.if %cond3A_107 {
          %add3A_171 = arith.constant 1 : i32
          %add3A_172 = arith.addi %scan3A_61, %add3A_171 : i32
          %dma_start3A_173 = arith.constant 0 : i32
          %dma_start3A_174 = arith.constant 0 : i32
          %dma_start3A_175 = tpu.memref_slice %arg3[%add3A, %add3A_172, %dma_start3A_173, %dma_start3A_174] : memref<32x28x3x120xi32, #tpu.memory_space<hbm>> -> memref<1x1x3x120xi32, #tpu.memory_space<hbm>>
          %dma_start3A_176 = tpu.memref_squeeze %dma_start3A_175 : memref<1x1x3x120xi32, #tpu.memory_space<hbm>> -> memref<3x120xi32, #tpu.memory_space<hbm>>
          %dma_start3A_177 = arith.constant 0 : i32
          %dma_start3A_178 = arith.constant 0 : i32
          %dma_start3A_179 = tpu.memref_slice %arg3[%add3A, %add3A_172, %dma_start3A_177, %dma_start3A_178] : memref<32x28x3x120xi32, #tpu.memory_space<hbm>> -> memref<1x1x3x120xi32, #tpu.memory_space<hbm>>
          %dma_start3A_180 = tpu.memref_squeeze %dma_start3A_179 : memref<1x1x3x120xi32, #tpu.memory_space<hbm>> -> memref<3x120xi32, #tpu.memory_space<hbm>>
          tpu.enqueue_dma source(%dma_start3A_180 : memref<3x120xi32, #tpu.memory_space<hbm>>) target(%arg6 : memref<3x120xi32, #tpu.memory_space<vmem>>) target_semaphore(%arg20 : memref<!tpu.dma_semaphore, #tpu.memory_space<semaphore_mem>>)
          %dma_start3A_181 = arith.constant 0 : i32
          %dma_start3A_182 = arith.constant 0 : i32
          %dma_start3A_183 = tpu.memref_slice %arg4[%add3A, %add3A_172, %dma_start3A_181, %dma_start3A_182] : memref<32x28x3x120xi32, #tpu.memory_space<hbm>> -> memref<1x1x3x120xi32, #tpu.memory_space<hbm>>
          %dma_start3A_184 = tpu.memref_squeeze %dma_start3A_183 : memref<1x1x3x120xi32, #tpu.memory_space<hbm>> -> memref<3x120xi32, #tpu.memory_space<hbm>>
          %dma_start3A_185 = arith.constant 0 : i32
          %dma_start3A_186 = arith.constant 0 : i32
          %dma_start3A_187 = tpu.memref_slice %arg4[%add3A, %add3A_172, %dma_start3A_185, %dma_start3A_186] : memref<32x28x3x120xi32, #tpu.memory_space<hbm>> -> memref<1x1x3x120xi32, #tpu.memory_space<hbm>>
          %dma_start3A_188 = tpu.memref_squeeze %dma_start3A_187 : memref<1x1x3x120xi32, #tpu.memory_space<hbm>> -> memref<3x120xi32, #tpu.memory_space<hbm>>
          tpu.enqueue_dma source(%dma_start3A_188 : memref<3x120xi32, #tpu.memory_space<hbm>>) target(%arg8 : memref<3x120xi32, #tpu.memory_space<vmem>>) target_semaphore(%arg20 : memref<!tpu.dma_semaphore, #tpu.memory_space<semaphore_mem>>)
        } else {
        }
        %dma_start3A_108 = arith.constant 0 : i32
        %dma_start3A_109 = arith.constant 0 : i32
        %dma_start3A_110 = tpu.memref_slice %arg7[%dma_start3A_108, %dma_start3A_109] : memref<3x120xi32, #tpu.memory_space<vmem>> -> memref<1x120xi32, #tpu.memory_space<vmem>>
        %dma_start3A_111 = tpu.memref_squeeze %dma_start3A_110 : memref<1x120xi32, #tpu.memory_space<vmem>> -> memref<120xi32, #tpu.memory_space<vmem>>
        %dma_start3A_112 = arith.constant 0 : i32
        %dma_start3A_113 = arith.constant 0 : i32
        %dma_start3A_114 = tpu.memref_slice %arg2[%dma_start3A_112, %dma_start3A_113] : memref<10000x128xf32, #tpu.memory_space<hbm>> -> memref<10000x128xf32, #tpu.memory_space<hbm>>
        tpu.enqueue_indirect_dma source(%dma_start3A_114 : memref<10000x128xf32, #tpu.memory_space<hbm>>) target(%arg10 : memref<120x128xf32, #tpu.memory_space<vmem>>) offsets(%dma_start3A_111 : memref<120xi32, #tpu.memory_space<vmem>>) semaphore(%arg14 : memref<!tpu.dma_semaphore, #tpu.memory_space<semaphore_mem>>)
        %dma_start3A_115 = arith.constant 1 : i32
        %dma_start3A_116 = arith.constant 0 : i32
        %dma_start3A_117 = tpu.memref_slice %arg7[%dma_start3A_115, %dma_start3A_116] : memref<3x120xi32, #tpu.memory_space<vmem>> -> memref<1x120xi32, #tpu.memory_space<vmem>>
        %dma_start3A_118 = tpu.memref_squeeze %dma_start3A_117 : memref<1x120xi32, #tpu.memory_space<vmem>> -> memref<120xi32, #tpu.memory_space<vmem>>
        %dma_start3A_119 = arith.constant 0 : i32
        %dma_start3A_120 = arith.constant 0 : i32
        %dma_start3A_121 = tpu.memref_slice %arg2[%dma_start3A_119, %dma_start3A_120] : memref<10000x128xf32, #tpu.memory_space<hbm>> -> memref<10000x128xf32, #tpu.memory_space<hbm>>
        tpu.enqueue_indirect_dma source(%dma_start3A_121 : memref<10000x128xf32, #tpu.memory_space<hbm>>) target(%arg11 : memref<120x128xf32, #tpu.memory_space<vmem>>) offsets(%dma_start3A_118 : memref<120xi32, #tpu.memory_space<vmem>>) semaphore(%arg15 : memref<!tpu.dma_semaphore, #tpu.memory_space<semaphore_mem>>)
        %dma_start3A_122 = arith.constant 2 : i32
        %dma_start3A_123 = arith.constant 0 : i32
        %dma_start3A_124 = tpu.memref_slice %arg7[%dma_start3A_122, %dma_start3A_123] : memref<3x120xi32, #tpu.memory_space<vmem>> -> memref<1x120xi32, #tpu.memory_space<vmem>>
        %dma_start3A_125 = tpu.memref_squeeze %dma_start3A_124 : memref<1x120xi32, #tpu.memory_space<vmem>> -> memref<120xi32, #tpu.memory_space<vmem>>
        %dma_start3A_126 = arith.constant 0 : i32
        %dma_start3A_127 = arith.constant 0 : i32
        %dma_start3A_128 = tpu.memref_slice %arg2[%dma_start3A_126, %dma_start3A_127] : memref<10000x128xf32, #tpu.memory_space<hbm>> -> memref<10000x128xf32, #tpu.memory_space<hbm>>
        tpu.enqueue_indirect_dma source(%dma_start3A_128 : memref<10000x128xf32, #tpu.memory_space<hbm>>) target(%arg12 : memref<120x128xf32, #tpu.memory_space<vmem>>) offsets(%dma_start3A_125 : memref<120xi32, #tpu.memory_space<vmem>>) semaphore(%arg16 : memref<!tpu.dma_semaphore, #tpu.memory_space<semaphore_mem>>)
        %dma_wait3A_129 = arith.constant 0 : i32
        %dma_wait3A_130 = arith.constant 0 : i32
        %dma_wait3A_131 = tpu.memref_slice %arg7[%dma_wait3A_129, %dma_wait3A_130] : memref<3x120xi32, #tpu.memory_space<vmem>> -> memref<1x120xi32, #tpu.memory_space<vmem>>
        %dma_wait3A_132 = tpu.memref_squeeze %dma_wait3A_131 : memref<1x120xi32, #tpu.memory_space<vmem>> -> memref<120xi32, #tpu.memory_space<vmem>>
        %dma_wait3A_133 = arith.constant 0 : i32
        %dma_wait3A_134 = arith.constant 0 : i32
        %dma_wait3A_135 = tpu.memref_slice %arg2[%dma_wait3A_133, %dma_wait3A_134] : memref<10000x128xf32, #tpu.memory_space<hbm>> -> memref<10000x128xf32, #tpu.memory_space<hbm>>
        tpu.wait_indirect_dma semaphore(%arg14 : memref<!tpu.dma_semaphore, #tpu.memory_space<semaphore_mem>>) src(%dma_wait3A_135 : memref<10000x128xf32, #tpu.memory_space<hbm>>) dst(%arg10 : memref<120x128xf32, #tpu.memory_space<vmem>>)
        %dma_start3A_136 = arith.constant 0 : i32
        %dma_start3A_137 = arith.constant 0 : i32
        %dma_start3A_138 = tpu.memref_slice %arg9[%dma_start3A_136, %dma_start3A_137] : memref<3x120xi32, #tpu.memory_space<vmem>> -> memref<1x120xi32, #tpu.memory_space<vmem>>
        %dma_start3A_139 = tpu.memref_squeeze %dma_start3A_138 : memref<1x120xi32, #tpu.memory_space<vmem>> -> memref<120xi32, #tpu.memory_space<vmem>>
        %dma_start3A_140 = arith.constant 0 : i32
        %dma_start3A_141 = arith.constant 0 : i32
        %dma_start3A_142 = tpu.memref_slice %arg13[%dma_start3A_140, %dma_start3A_141] : memref<10240x128xf32, #tpu.memory_space<vmem_shared>> -> memref<10240x128xf32, #tpu.memory_space<vmem_shared>>
        tpu.enqueue_indirect_dma source(%arg10 : memref<120x128xf32, #tpu.memory_space<vmem>>) target(%dma_start3A_142 : memref<10240x128xf32, #tpu.memory_space<vmem_shared>>) offsets(%dma_start3A_139 : memref<120xi32, #tpu.memory_space<vmem>>) semaphore(%arg17 : memref<!tpu.dma_semaphore, #tpu.memory_space<semaphore_mem>>) {add = true}
        %dma_wait3A_143 = arith.constant 1 : i32
        %dma_wait3A_144 = arith.constant 0 : i32
        %dma_wait3A_145 = tpu.memref_slice %arg7[%dma_wait3A_143, %dma_wait3A_144] : memref<3x120xi32, #tpu.memory_space<vmem>> -> memref<1x120xi32, #tpu.memory_space<vmem>>
        %dma_wait3A_146 = tpu.memref_squeeze %dma_wait3A_145 : memref<1x120xi32, #tpu.memory_space<vmem>> -> memref<120xi32, #tpu.memory_space<vmem>>
        %dma_wait3A_147 = arith.constant 0 : i32
        %dma_wait3A_148 = arith.constant 0 : i32
        %dma_wait3A_149 = tpu.memref_slice %arg2[%dma_wait3A_147, %dma_wait3A_148] : memref<10000x128xf32, #tpu.memory_space<hbm>> -> memref<10000x128xf32, #tpu.memory_space<hbm>>
        tpu.wait_indirect_dma semaphore(%arg15 : memref<!tpu.dma_semaphore, #tpu.memory_space<semaphore_mem>>) src(%dma_wait3A_149 : memref<10000x128xf32, #tpu.memory_space<hbm>>) dst(%arg11 : memref<120x128xf32, #tpu.memory_space<vmem>>)
        %dma_start3A_150 = arith.constant 1 : i32
        %dma_start3A_151 = arith.constant 0 : i32
        %dma_start3A_152 = tpu.memref_slice %arg9[%dma_start3A_150, %dma_start3A_151] : memref<3x120xi32, #tpu.memory_space<vmem>> -> memref<1x120xi32, #tpu.memory_space<vmem>>
        %dma_start3A_153 = tpu.memref_squeeze %dma_start3A_152 : memref<1x120xi32, #tpu.memory_space<vmem>> -> memref<120xi32, #tpu.memory_space<vmem>>
        %dma_start3A_154 = arith.constant 0 : i32
        %dma_start3A_155 = arith.constant 0 : i32
        %dma_start3A_156 = tpu.memref_slice %arg13[%dma_start3A_154, %dma_start3A_155] : memref<10240x128xf32, #tpu.memory_space<vmem_shared>> -> memref<10240x128xf32, #tpu.memory_space<vmem_shared>>
        tpu.enqueue_indirect_dma source(%arg11 : memref<120x128xf32, #tpu.memory_space<vmem>>) target(%dma_start3A_156 : memref<10240x128xf32, #tpu.memory_space<vmem_shared>>) offsets(%dma_start3A_153 : memref<120xi32, #tpu.memory_space<vmem>>) semaphore(%arg18 : memref<!tpu.dma_semaphore, #tpu.memory_space<semaphore_mem>>) {add = true}
        %dma_wait3A_157 = arith.constant 2 : i32
        %dma_wait3A_158 = arith.constant 0 : i32
        %dma_wait3A_159 = tpu.memref_slice %arg7[%dma_wait3A_157, %dma_wait3A_158] : memref<3x120xi32, #tpu.memory_space<vmem>> -> memref<1x120xi32, #tpu.memory_space<vmem>>
        %dma_wait3A_160 = tpu.memref_squeeze %dma_wait3A_159 : memref<1x120xi32, #tpu.memory_space<vmem>> -> memref<120xi32, #tpu.memory_space<vmem>>
        %dma_wait3A_161 = arith.constant 0 : i32
        %dma_wait3A_162 = arith.constant 0 : i32
        %dma_wait3A_163 = tpu.memref_slice %arg2[%dma_wait3A_161, %dma_wait3A_162] : memref<10000x128xf32, #tpu.memory_space<hbm>> -> memref<10000x128xf32, #tpu.memory_space<hbm>>
        tpu.wait_indirect_dma semaphore(%arg16 : memref<!tpu.dma_semaphore, #tpu.memory_space<semaphore_mem>>) src(%dma_wait3A_163 : memref<10000x128xf32, #tpu.memory_space<hbm>>) dst(%arg12 : memref<120x128xf32, #tpu.memory_space<vmem>>)
        %dma_start3A_164 = arith.constant 2 : i32
        %dma_start3A_165 = arith.constant 0 : i32
        %dma_start3A_166 = tpu.memref_slice %arg9[%dma_start3A_164, %dma_start3A_165] : memref<3x120xi32, #tpu.memory_space<vmem>> -> memref<1x120xi32, #tpu.memory_space<vmem>>
        %dma_start3A_167 = tpu.memref_squeeze %dma_start3A_166 : memref<1x120xi32, #tpu.memory_space<vmem>> -> memref<120xi32, #tpu.memory_space<vmem>>
        %dma_start3A_168 = arith.constant 0 : i32
        %dma_start3A_169 = arith.constant 0 : i32
        %dma_start3A_170 = tpu.memref_slice %arg13[%dma_start3A_168, %dma_start3A_169] : memref<10240x128xf32, #tpu.memory_space<vmem_shared>> -> memref<10240x128xf32, #tpu.memory_space<vmem_shared>>
        tpu.enqueue_indirect_dma source(%arg12 : memref<120x128xf32, #tpu.memory_space<vmem>>) target(%dma_start3A_170 : memref<10240x128xf32, #tpu.memory_space<vmem_shared>>) offsets(%dma_start3A_167 : memref<120xi32, #tpu.memory_space<vmem>>) semaphore(%arg19 : memref<!tpu.dma_semaphore, #tpu.memory_space<semaphore_mem>>) {add = true}
      } else {
      }
    }
    %scan3A_39 = arith.constant 28 : i32
    %dma_wait3A = arith.constant 0 : i32
    %dma_wait3A_40 = arith.constant 0 : i32
    %dma_wait3A_41 = tpu.memref_slice %arg8[%dma_wait3A, %dma_wait3A_40] : memref<3x120xi32, #tpu.memory_space<vmem>> -> memref<1x120xi32, #tpu.memory_space<vmem>>
    %dma_wait3A_42 = tpu.memref_squeeze %dma_wait3A_41 : memref<1x120xi32, #tpu.memory_space<vmem>> -> memref<120xi32, #tpu.memory_space<vmem>>
    %dma_wait3A_43 = arith.constant 0 : i32
    %dma_wait3A_44 = arith.constant 0 : i32
    %dma_wait3A_45 = tpu.memref_slice %arg13[%dma_wait3A_43, %dma_wait3A_44] : memref<10240x128xf32, #tpu.memory_space<vmem_shared>> -> memref<10240x128xf32, #tpu.memory_space<vmem_shared>>
    tpu.wait_indirect_dma semaphore(%arg17 : memref<!tpu.dma_semaphore, #tpu.memory_space<semaphore_mem>>) src(%arg10 : memref<120x128xf32, #tpu.memory_space<vmem>>) dst(%dma_wait3A_45 : memref<10240x128xf32, #tpu.memory_space<vmem_shared>>)
    %dma_wait3A_46 = arith.constant 1 : i32
    %dma_wait3A_47 = arith.constant 0 : i32
    %dma_wait3A_48 = tpu.memref_slice %arg8[%dma_wait3A_46, %dma_wait3A_47] : memref<3x120xi32, #tpu.memory_space<vmem>> -> memref<1x120xi32, #tpu.memory_space<vmem>>
    %dma_wait3A_49 = tpu.memref_squeeze %dma_wait3A_48 : memref<1x120xi32, #tpu.memory_space<vmem>> -> memref<120xi32, #tpu.memory_space<vmem>>
    %dma_wait3A_50 = arith.constant 0 : i32
    %dma_wait3A_51 = arith.constant 0 : i32
    %dma_wait3A_52 = tpu.memref_slice %arg13[%dma_wait3A_50, %dma_wait3A_51] : memref<10240x128xf32, #tpu.memory_space<vmem_shared>> -> memref<10240x128xf32, #tpu.memory_space<vmem_shared>>
    tpu.wait_indirect_dma semaphore(%arg18 : memref<!tpu.dma_semaphore, #tpu.memory_space<semaphore_mem>>) src(%arg11 : memref<120x128xf32, #tpu.memory_space<vmem>>) dst(%dma_wait3A_52 : memref<10240x128xf32, #tpu.memory_space<vmem_shared>>)
    %dma_wait3A_53 = arith.constant 2 : i32
    %dma_wait3A_54 = arith.constant 0 : i32
    %dma_wait3A_55 = tpu.memref_slice %arg8[%dma_wait3A_53, %dma_wait3A_54] : memref<3x120xi32, #tpu.memory_space<vmem>> -> memref<1x120xi32, #tpu.memory_space<vmem>>
    %dma_wait3A_56 = tpu.memref_squeeze %dma_wait3A_55 : memref<1x120xi32, #tpu.memory_space<vmem>> -> memref<120xi32, #tpu.memory_space<vmem>>
    %dma_wait3A_57 = arith.constant 0 : i32
    %dma_wait3A_58 = arith.constant 0 : i32
    %dma_wait3A_59 = tpu.memref_slice %arg13[%dma_wait3A_57, %dma_wait3A_58] : memref<10240x128xf32, #tpu.memory_space<vmem_shared>> -> memref<10240x128xf32, #tpu.memory_space<vmem_shared>>
    tpu.wait_indirect_dma semaphore(%arg19 : memref<!tpu.dma_semaphore, #tpu.memory_space<semaphore_mem>>) src(%arg12 : memref<120x128xf32, #tpu.memory_space<vmem>>) dst(%dma_wait3A_59 : memref<10240x128xf32, #tpu.memory_space<vmem_shared>>)
    %barrier3A_60 = arith.constant 0 : index
    tpu.barrier barrier_id(%barrier3A_60)
    "tpu.region"() ({
      %run_scoped3A = tpu.sem_alloc : memref<!tpu.dma_semaphore, #tpu.memory_space<semaphore_mem>>
      %dma_start3A_61 = arith.constant 0 : i32
      %dma_start3A_62 = tpu.memref_slice %arg5[%arg0, %mul3A_25, %dma_start3A_61] : memref<2x10240x128xf32, #tpu.memory_space<hbm>> -> memref<1x640x128xf32, #tpu.memory_space<hbm>>
      %dma_start3A_63 = tpu.memref_squeeze %dma_start3A_62 : memref<1x640x128xf32, #tpu.memory_space<hbm>> -> memref<640x128xf32, #tpu.memory_space<hbm>>
      %dma_start3A_64 = arith.constant 0 : i32
      %dma_start3A_65 = tpu.memref_slice %arg13[%mul3A_25, %dma_start3A_64] : memref<10240x128xf32, #tpu.memory_space<vmem_shared>> -> memref<640x128xf32, #tpu.memory_space<vmem_shared>>
      tpu.enqueue_dma source(%dma_start3A_65 : memref<640x128xf32, #tpu.memory_space<vmem_shared>>) target(%dma_start3A_63 : memref<640x128xf32, #tpu.memory_space<hbm>>) target_semaphore(%run_scoped3A : memref<!tpu.dma_semaphore, #tpu.memory_space<semaphore_mem>>)
      %dma_wait3A_66 = arith.constant 0 : i32
      %dma_wait3A_67 = tpu.memref_slice %arg5[%arg0, %mul3A_25, %dma_wait3A_66] : memref<2x10240x128xf32, #tpu.memory_space<hbm>> -> memref<1x640x128xf32, #tpu.memory_space<hbm>>
      %dma_wait3A_68 = tpu.memref_squeeze %dma_wait3A_67 : memref<1x640x128xf32, #tpu.memory_space<hbm>> -> memref<640x128xf32, #tpu.memory_space<hbm>>
      %dma_wait3A_69 = arith.constant 0 : i32
      %dma_wait3A_70 = tpu.memref_slice %arg13[%mul3A_25, %dma_wait3A_69] : memref<10240x128xf32, #tpu.memory_space<vmem_shared>> -> memref<640x128xf32, #tpu.memory_space<vmem_shared>>
      tpu.wait_dma2 semaphore(%run_scoped3A : memref<!tpu.dma_semaphore, #tpu.memory_space<semaphore_mem>>) src(%dma_wait3A_70 : memref<640x128xf32, #tpu.memory_space<vmem_shared>>) dst(%dma_wait3A_68 : memref<640x128xf32, #tpu.memory_space<hbm>>)
      tpu.yield
    }) : () -> ()
    return
  }
}

module attributes {stable_mosaic.version = 14 : i64} {
  func.func @_mlp_body(%arg0: i32, %arg1: memref<1000x128xf32, #tpu.memory_space<vmem>>, %arg2: memref<2x1000x128xf32, #tpu.memory_space<vmem>>, %arg3: memref<128x128xf32, #tpu.memory_space<vmem>>, %arg4: memref<1x128xf32, #tpu.memory_space<vmem>>, %arg5: memref<128x128xf32, #tpu.memory_space<vmem>>, %arg6: memref<1x128xf32, #tpu.memory_space<vmem>>, %arg7: memref<1000x128xf32, #tpu.memory_space<vmem>>) attributes {dimension_semantics = [#tpu.dimension_semantics<arbitrary>], iteration_bounds = array<i64: 10>, scalar_prefetch = 0 : i64, scratch_operands = 0 : i64, tpu.core_type = #tpu.core_type<tc>, window_params = [{transform_indices = @transform_0, window_bounds = array<i64: 1000, 128>}, {transform_indices = @transform_1, window_bounds = array<i64: 2, 1000, 128>}, {pipeline_mode = #tpu.pipeline_mode<synchronous>, transform_indices = @transform_2, window_bounds = array<i64: 128, 128>}, {pipeline_mode = #tpu.pipeline_mode<synchronous>, transform_indices = @transform_3, window_bounds = array<i64: 1, 128>}, {pipeline_mode = #tpu.pipeline_mode<synchronous>, transform_indices = @transform_4, window_bounds = array<i64: 128, 128>}, {pipeline_mode = #tpu.pipeline_mode<synchronous>, transform_indices = @transform_5, window_bounds = array<i64: 1, 128>}, {transform_indices = @transform_6, window_bounds = array<i64: 1000, 128>}]} {
    %get3A = arith.constant 0 : index
    %get3A_0 = arith.constant 0 : index
    %get3A_1 = vector.load %arg1[%get3A, %get3A_0] : memref<1000x128xf32, #tpu.memory_space<vmem>>, vector<1000x128xf32>
    %get3A_2 = arith.constant 0 : index
    %get3A_3 = arith.constant 0 : index
    %get3A_4 = arith.constant 0 : index
    %get3A_5 = vector.load %arg2[%get3A_2, %get3A_3, %get3A_4] : memref<2x1000x128xf32, #tpu.memory_space<vmem>>, vector<1x1000x128xf32>
    %get3A_6 = vector.shape_cast %get3A_5 : vector<1x1000x128xf32> to vector<1000x128xf32>
    %add3A = arith.addf %get3A_1, %get3A_6 : vector<1000x128xf32>
    %get3A_7 = arith.constant 1 : index
    %get3A_8 = arith.constant 0 : index
    %get3A_9 = arith.constant 0 : index
    %get3A_10 = vector.load %arg2[%get3A_7, %get3A_8, %get3A_9] : memref<2x1000x128xf32, #tpu.memory_space<vmem>>, vector<1x1000x128xf32>
    %get3A_11 = vector.shape_cast %get3A_10 : vector<1x1000x128xf32> to vector<1000x128xf32>
    %add3A_12 = arith.addf %add3A, %get3A_11 : vector<1000x128xf32>
    %get3A_13 = arith.constant 0 : index
    %get3A_14 = arith.constant 0 : index
    %get3A_15 = vector.load %arg3[%get3A_13, %get3A_14] : memref<128x128xf32, #tpu.memory_space<vmem>>, vector<128x128xf32>
    %dot_general3A = arith.constant dense<0.000000e+00> : vector<1000x128xf32>
    %dot_general3A_16 = tpu.matmul %add3A_12, %get3A_15, %dot_general3A {dimension_numbers = #tpu.dot_dimension_numbers<[1], [0], [0], [1], [0, 0, 1, 1], [], []>, transpose_lhs_hint = false} : vector<1000x128xf32>, vector<128x128xf32>, vector<1000x128xf32> -> vector<1000x128xf32>
    %get3A_17 = arith.constant 0 : index
    %get3A_18 = arith.constant 0 : index
    %get3A_19 = vector.load %arg4[%get3A_17, %get3A_18] : memref<1x128xf32, #tpu.memory_space<vmem>>, vector<1x128xf32>
    %add3A_20 = vector.broadcast %get3A_19 : vector<1x128xf32> to vector<1000x128xf32>
    %add3A_21 = arith.addf %dot_general3A_16, %add3A_20 : vector<1000x128xf32>
    %max3A = arith.constant 0.000000e+00 : f32
    %max3A_22 = vector.broadcast %max3A : f32 to vector<1000x128xf32>
    %max3A_23 = arith.maximumf %add3A_21, %max3A_22 : vector<1000x128xf32>
    %get3A_24 = arith.constant 0 : index
    %get3A_25 = arith.constant 0 : index
    %get3A_26 = vector.load %arg5[%get3A_24, %get3A_25] : memref<128x128xf32, #tpu.memory_space<vmem>>, vector<128x128xf32>
    %dot_general3A_27 = arith.constant dense<0.000000e+00> : vector<1000x128xf32>
    %dot_general3A_28 = tpu.matmul %max3A_23, %get3A_26, %dot_general3A_27 {dimension_numbers = #tpu.dot_dimension_numbers<[1], [0], [0], [1], [0, 0, 1, 1], [], []>, transpose_lhs_hint = false} : vector<1000x128xf32>, vector<128x128xf32>, vector<1000x128xf32> -> vector<1000x128xf32>
    %get3A_29 = arith.constant 0 : index
    %get3A_30 = arith.constant 0 : index
    %get3A_31 = vector.load %arg6[%get3A_29, %get3A_30] : memref<1x128xf32, #tpu.memory_space<vmem>>, vector<1x128xf32>
    %add3A_32 = vector.broadcast %get3A_31 : vector<1x128xf32> to vector<1000x128xf32>
    %add3A_33 = arith.addf %dot_general3A_28, %add3A_32 : vector<1000x128xf32>
    %swap3A = arith.constant 0 : index
    %swap3A_34 = arith.constant 0 : index
    %swap3A_35 = vector.load %arg7[%swap3A, %swap3A_34] : memref<1000x128xf32, #tpu.memory_space<vmem>>, vector<1000x128xf32>
    tpu.vector_store %arg7[%swap3A, %swap3A_34], %add3A_33 {strides = array<i32>} : memref<1000x128xf32, #tpu.memory_space<vmem>>, vector<1000x128xf32>,
    return
  }
  func.func @transform_0(%arg0: i32) -> (i32, i32) {
    %c0_i32 = arith.constant 0 : i32
    %c0_i32_0 = arith.constant 0 : i32
    return %arg0, %c0_i32 : i32, i32
  }
  func.func @transform_1(%arg0: i32) -> (i32, i32, i32) {
    %c0_i32 = arith.constant 0 : i32
    %c0_i32_0 = arith.constant 0 : i32
    %c0_i32_1 = arith.constant 0 : i32
    return %c0_i32, %arg0, %c0_i32_0 : i32, i32, i32
  }
  func.func @transform_2(%arg0: i32) -> (i32, i32) {
    %c0_i32 = arith.constant 0 : i32
    %c0_i32_0 = arith.constant 0 : i32
    %c0_i32_1 = arith.constant 0 : i32
    return %c0_i32, %c0_i32_0 : i32, i32
  }
  func.func @transform_3(%arg0: i32) -> (i32, i32) {
    %c0_i32 = arith.constant 0 : i32
    %c0_i32_0 = arith.constant 0 : i32
    %c0_i32_1 = arith.constant 0 : i32
    return %c0_i32, %c0_i32_0 : i32, i32
  }
  func.func @transform_4(%arg0: i32) -> (i32, i32) {
    %c0_i32 = arith.constant 0 : i32
    %c0_i32_0 = arith.constant 0 : i32
    %c0_i32_1 = arith.constant 0 : i32
    return %c0_i32, %c0_i32_0 : i32, i32
  }
  func.func @transform_5(%arg0: i32) -> (i32, i32) {
    %c0_i32 = arith.constant 0 : i32
    %c0_i32_0 = arith.constant 0 : i32
    %c0_i32_1 = arith.constant 0 : i32
    return %c0_i32, %c0_i32_0 : i32, i32
  }
  func.func @transform_6(%arg0: i32) -> (i32, i32) {
    %c0_i32 = arith.constant 0 : i32
    %c0_i32_0 = arith.constant 0 : i32
    return %arg0, %c0_i32 : i32, i32
  }
}

</mosaic_0001>

<sc_bundles>
// kernel: kernel.4.cloned.1.call-start
scs
__scs_entry_jumppad:
0x0: {  	(pc) =	sbr.rel $0x88, $3  }
0x1: {  	(tag) =	ssettag $0x0;
	lr =	simm.s32 $0x1  }
0x2: {  	[smem:$0x3F9B] =	sst lr;
	_ =	strace $0xD0000000  }
0x3: {  	_ = 	snop  }
0x4: {  	_ = 	snop  }
0x5: {  	_ = 	snop  }
0x6: {  	_ = 	snop  }
0x7: {  	_ = 	snop  }
__scs_overlays_trampoline_lowered:
0x8: {  	[smem:$0x3FAA] =	sst s0  }
0x9: {  	[smem:$0x3FAB] =	sst s1  }
0xa: {  	[smem:$0x3FAC] =	sst s2  }
0xb: {  	[smem:$0x3FAD] =	sst s3  }
0xc: {  	[smem:$0x3FAE] =	sst s4  }
0xd: {  	[smem:$0x3FAF] =	sst s5  }
0xe: {  	[smem:$0x3FB0] =	sst s6  }
0xf: {  	[smem:$0x3FB1] =	sst s7  }
0x10: {  	[smem:$0x3FB2] =	sst s8  }
0x11: {  	[smem:$0x3FB3] =	sst s9;
	s0 =	simm.s32 @!p0 $0x0  }
0x12: {  	s1 =	sld [smem:$0x3F99];
	s0 =	simm.s32 @p0 $0x1  }
0x13: {  	[smem:$0x3FB4] =	sst s0;
	s0 =	simm.s32 @!p1 $0x0  }
0x14: {  	s2 =	sld [smem:$0x3F98];
	s0 =	simm.s32 @p1 $0x1  }
0x15: {  	[smem:$0x3FB5] =	sst s0;
	s0 =	simm.s32 @!p2 $0x0  }
0x16: {  	s3 =	sld [smem:$0x3FDB];
	s0 =	simm.s32 @p2 $0x1  }
0x17: {  	s4 =	simm.s32 $0x1BF5;
	[smem:$0x3FB7] =	sst s0  }
0x18: {  	s0 =	sld [smem:$0x3F9A];
	_ =	swait.ge [sflag:s4], $0x0  }
0x19: {  	s7 =	sld [smem:$0x3F9B]  }
0x1a: {  	s8 =	sadd.s32 $0xFFFFE003, lr  }
0x1b: {  	s9 =	sadd.s32 $0xFFFFFEF7, lr;
	s5 =	simm.s32 $0xFFFFFFFF;
	p2 =	slt.u32 s8, $0xFFFFF086  }
0x1c: {  	p1 =	slt.u32 s9, $0xF7A;
	s5 =	simm.s32 @!p2 $0x0  }
0x1d: {  	s5 =	simm.s32 @p1 $0x1;
	p0 =	seq.s32 s7, s2  }
0x1e: {  	s7 =	smul.u32 @!p0 $0xF7A, s2;
	p2 =	seq.s32 @!p0 s5, $0x0  }
0x1f: {  	s9 =	smul.u32 $0xF7A, s1;
	s8 =	simm.s32 @!p0 $0x1BF5;
	p2 =	por !p2, p0  }
0x20: {  	[sflag:s8] =	ssyncset.s32 @!p0 $0xFFFFF086;
	s6 =	sadd.s32 @!p0 s3, s7;
	s7 =	simm.s32 @!p0 $0x108  }
0x21: {  	s3 =	sadd.s32 s3, s9;
	s6 =	sadd.s32 @!p0 $0x88, s6;
	s7 =	simm.s32 @p2 $0x1082  }
0x22: {  	[simem:s7], [sflag:s8] =	dma.local @!p0 [hbm:s6], $0xF7A  }
0x23: {  	s9 =	sor.u32 $0xD0000000, s2;
	s6 =	simm.s32 $0x108;
	_ =	swait.ge @!p0 [sflag:s8], $0x0  }
0x24: {  	s3 =	sadd.s32 $0x88, s3;
	s6 =	simm.s32 @!p1 $0x1082;
	[sflag:s4] =	ssyncset.s32 $0xFFFFF086  }
0x25: {  	[simem:s6], [sflag:s4] =	dma.local [hbm:s3], $0xF7A  }
0x26: {  	[smem:$0x3F9B] =	sst s1;
	(tag) =	ssettag s2;
	_ =	strace s9  }
0x27: {  	s1 =	sld [smem:$0x3FAB]  }
0x28: {  	s2 =	sld [smem:$0x3FAC]  }
0x29: {  	s4 =	sld [smem:$0x3FAE]  }
0x2a: {  	p0 =	seq.s32 s5, $0x0;
	s5 =	sld [smem:$0x3FAF]  }
0x2b: {  	s6 =	sld [smem:$0x3FB0]  }
0x2c: {  	s7 =	sld [smem:$0x3FB1]  }
0x2d: {  	s3 =	simm.s32 $0x108;
	s8 =	sld [smem:$0x3FB2]  }
0x2e: {  	s3 =	simm.s32 @!p0 $0x1082;
	s9 =	sld [smem:$0x3FB3]  }
0x2f: {  	lr =	sadd.s32 s0, s3;
	s0 =	sld [smem:$0x3FAA]  }
0x30: {  	s3 =	sld [smem:$0x3FAD]  }
0x31: {  	[smem:$0x3FB6] =	sst s10  }
0x32: {  	s10 =	sld [smem:$0x3FB4];
	_ =	sdelay $0x3  }
0x33: {  	p0 =	seq.s32 s10, $0x1;
	s10 =	sld [smem:$0x3FB6];
	_ =	sdelay $0x3  }
0x34: {  	[smem:$0x3FB6] =	sst s10  }
0x35: {  	s10 =	sld [smem:$0x3FB5];
	_ =	sdelay $0x3  }
0x36: {  	p1 =	seq.s32 s10, $0x1;
	s10 =	sld [smem:$0x3FB6];
	_ =	sdelay $0x3  }
0x37: {  	[smem:$0x3FB6] =	sst s10  }
0x38: {  	s10 =	sld [smem:$0x3FB7]  }
0x39: {  	_ = 	snop;
	(pc) =	sbr.ind lr, $3  }
0x3a: {  	_ = 	snop  }
0x3b: {  	_ = 	snop  }
0x3c: {  	p2 =	seq.s32 s10, $0x1;
	s10 =	sld [smem:$0x3FB6]  }
0x3d: {  	_ =	shalt  }
0x3e: {  	_ =	shalt  }
0x3f: {  	_ =	shalt  }
0x40: {  	_ =	shalt  }
0x41: {  	_ =	shalt  }
0x42: {  	_ =	shalt  }
0x43: {  	_ =	shalt  }
0x44: {  	_ =	shalt  }
0x45: {  	_ =	shalt  }
0x46: {  	_ =	shalt  }
0x47: {  	_ =	shalt  }
0x48: {  	_ =	shalt  }
0x49: {  	_ =	shalt  }
0x4a: {  	_ =	shalt  }
0x4b: {  	_ =	shalt  }
0x4c: {  	_ =	shalt  }
0x4d: {  	_ =	shalt  }
0x4e: {  	_ =	shalt  }
0x4f: {  	_ =	shalt  }
0x50: {  	_ =	shalt  }
0x51: {  	_ =	shalt  }
0x52: {  	_ =	shalt  }
0x53: {  	_ =	shalt  }
0x54: {  	_ =	shalt  }
0x55: {  	_ =	shalt  }
0x56: {  	_ =	shalt  }
0x57: {  	_ =	shalt  }
0x58: {  	_ =	shalt  }
0x59: {  	_ =	shalt  }
0x5a: {  	_ =	shalt  }
0x5b: {  	_ =	shalt  }
0x5c: {  	_ =	shalt  }
0x5d: {  	_ =	shalt  }
0x5e: {  	_ =	shalt  }
0x5f: {  	_ =	shalt  }
0x60: {  	_ =	shalt  }
0x61: {  	_ =	shalt  }
0x62: {  	_ =	shalt  }
0x63: {  	_ =	shalt  }
0x64: {  	_ =	shalt  }
0x65: {  	_ =	shalt  }
0x66: {  	_ =	shalt  }
0x67: {  	_ =	shalt  }
0x68: {  	_ =	shalt  }
0x69: {  	_ =	shalt  }
0x6a: {  	_ =	shalt  }
0x6b: {  	_ =	shalt  }
0x6c: {  	_ =	shalt  }
0x6d: {  	_ =	shalt  }
0x6e: {  	_ =	shalt  }
0x6f: {  	_ =	shalt  }
0x70: {  	_ =	shalt  }
0x71: {  	_ =	shalt  }
0x72: {  	_ =	shalt  }
0x73: {  	_ =	shalt  }
0x74: {  	_ =	shalt  }
0x75: {  	_ =	shalt  }
0x76: {  	_ =	shalt  }
0x77: {  	_ =	shalt  }
0x78: {  	_ =	shalt  }
0x79: {  	_ =	shalt  }
0x7a: {  	_ =	shalt  }
0x7b: {  	_ =	shalt  }
0x7c: {  	_ =	shalt  }
0x7d: {  	_ =	shalt  }
0x7e: {  	_ =	shalt  }
0x7f: {  	_ =	shalt  }
0x80: {  	_ =	shalt  }
0x81: {  	_ =	shalt  }
0x82: {  	_ =	shalt  }
0x83: {  	_ =	shalt  }
0x84: {  	_ =	shalt  }
0x85: {  	_ =	shalt  }
0x86: {  	_ =	shalt  }
0x87: {  	_ =	shalt  }
.Lfunc_end0:
.L_simem_size_0:
called_computation_lowered:
.L_overlay_start_0:
0x88: {  	s2 =	sld [smem:$0x3FD9]  }
0x89: {  	s3 =	sld [smem:$0x3FFE];
	_ =	sdelay $0x1  }
0x8a: {  	s1 =	srdreg.scid  }
0x8b: {  	s0 =	sand.u32 $0x1, s1  }
0x8c: {  	s17 =	sshll.u32 s0, $0xA;
	s2 =	sadd.s32 s3, s2  }
0x8d: {  	s2 =	sadd.s32 s2, s17  }
0x8e: {  	[smem:$0x3FC2] =	sst s2  }
0x8f: {  	_ = 	snop  }
0x90: {  	s2 =	sld [smem:$0x3FC9]  }
0x91: {  	s18 =	sld [smem:$0x3FD0];
	(tm) =	ssettm $0x1  }
0x92: {  	s4 =	sld [smem:$0x3FFB];
	_ =	sdelay $0x3  }
0x93: {  	_ =	strace s4  }
0x94: {  	s4 =	sld [smem:$0x3FFC];
	_ =	sdelay $0x3  }
0x95: {  	_ =	strace s4  }
0x96: {  	s4 =	sld [smem:$0x3FFD];
	_ =	sdelay $0x3  }
0x97: {  	_ =	strace s4  }
0x98: {  	_ =	strace $0x8FFFFFFF  }
0x99: {  	s19 =	sld [smem:$0x3FDB];
	_ =	sdelay $0x1  }
0x9a: {  	s5 =	simm.s32 $_scs_section_size  }
0x9b: {  	s6 =	simm.s32 $_size__tile_overlayer_lowered;
	s7 =	simm.s32 $_tile_overlayer_lowered  }
0x9c: {  	s22 =	simm.s32 $0x1BFF;
	s21 =	sshll.u32 s7, $0x1;
	s4 =	sadd.s32 s5, s19  }
0x9d: {  	s8 =	simm.s32 $0x0;
	s20 =	sshll.u32 s6, $0x1;
	s6 =	sadd.s32 s21, s4  }
0x9e: {  	[timem:s8], [sflag:s22] =	dma.local [hbm:s6], s20  }
0x9f: {  	_ =	swait.ge [sflag:s22], s20  }
0xa0: {  	s5 =	ssub.s32 $0x0, s20;
	[sflag:s22] =	ssyncset.done $0x0  }
0xa1: {  	[sflag:s22] =	ssyncadd.s32 s5;
	_ =	sdelay $0x1  }
0xa2: {  	s23 =	simm.s32 $0x1B8B  }
0xa3: {  	_ =	swait.ge [sflag:s23], $0x1  }
0xa4: {  	[sflag:s23] =	ssyncset.done $0x0  }
0xa5: {  	s25 =	simm.s32 $0x1B8E;
	s24 =	sld [smem:$0x3FFE];
	[sflag:s23] =	ssyncadd.s32 $0xFFFFFFFF  }
0xa6: {  	s26 =	simm.s32 $execute0_lowered;
	[smem:$0x3FD2] =	sst s25  }
0xa7: {  	s6 =	sshll.u32 s26, $0x1;
	_ =	strace $0x80000046;
	[dreg:$0x1] =	wrdreg $0xFFFFFFFF  }
0xa8: {  	s28 =	simm.s32 $_size_execute0_lowered;
	s4 =	sadd.s32 s4, s6;
	[dreg:$0x0] =	wrdreg $0x0  }
0xa9: {  	s6 =	sshll.u32 s28, $0x1;
	[dreg:$0x2] =	wrdreg s4  }
0xaa: {  	[dreg:$0x3] =	wrdreg s6  }
0xab: {  	[dreg:$0x4] =	wrdreg $0xC0  }
0xac: {  	_ =	task [dreg:s8], $0x5FFFF  }
0xad: {  	[dreg:$0x1] =	wrdreg $0xFFFFFFFF  }
0xae: {  	[dreg:$0x0] =	wrdreg $0x60  }
0xaf: {  	[dreg:$0x2] =	wrdreg s2  }
0xb0: {  	[dreg:$0x3] =	wrdreg s18  }
0xb1: {  	[dreg:$0x4] =	wrdreg s24  }
0xb2: {  	[dreg:$0x5] =	wrdreg $0xBC000  }
0xb3: {  	[dreg:$0x6] =	wrdreg $0x9  }
0xb4: {  	_ =	task.clear_ibuf [dreg:s8], $0x7FFFF;
	_ =	strace $0x90000046  }
0xb5: {  	s29 =	simm.s32 $0x9;
	_ =	strace $0x80000048  }
0xb6: {  	_ =	swait.ge [sflag:s29], $0x1  }
0xb7: {  	[sflag:s29] =	ssyncadd.s32 $0xFFFFFFFF  }
0xb8: {  	_ =	strace $0x90000048  }
0xb9: {  	_ =	sfence  }
0xba: {  	s30 =	sld [smem:$0x0];
	_ =	sdelay $0x2  }
0xbb: {  	s31 =	sshll.u32 s1, $0xD;
	s1 =	sshrl.u32 s1, $0x2  }
0xbc: {  	s3 =	sand.u32 $0x4000, s31;
	s1 =	sadd.s32 s1, s30  }
0xbd: {  	s0 =	sor.u32 s3, s0;
	s1 =	sshll.u32 s1, $0x11  }
0xbe: {  	s0 =	sor.u32 s1, s0  }
0xbf: {  	s0 =	sadd.s32 $0x8F2B, s0  }
0xc0: {  	[sflag:s0] =	ssyncadd.remote.s32 $0x1  }
0xc1: {  	_ =	sfence.sel $0xFFFF  }
0xc2: {  	[dreg:$0x0] =	wrdreg $0xFFFFFFFF;
	(pc) =	sbr.abs _section_cstart, $3  }
0xc3: {  	[dreg:$0x1] =	wrdreg $0xFFFFFFFF  }
0xc4: {  	_ =	task.clear_ibuf [dreg:s8], $0x2FFFF;
	_ =	strace $0x9FFFFFFF  }
0xc5: {  	(tm) =	ssettm $0x7FFFFFFF  }
tec
execute0_lowered:
.L_overlay_start_1:
0x0: {  	(tag) =	ssettag $0x1  }
0x1: {  	s0 =	rddreg [dreg:$0x0]  }
0x2: {  	s2 =	rddreg [dreg:$0x1]  }
0x3: {  	s1 =	rddreg [dreg:$0x2]  }
0x4: {  	s4 =	srdreg.scid;
	s11 =	stileid.u32  }
0x5: {  	s3 =	rddreg [dreg:$0x3];
	s28 =	simm.s32 $0x5;
	s7 =	smul.u32 $0x14000, s11  }
0x6: {  	s29 =	simm.s32 $0x6;
	s6 =	sand.u32 $0x1, s4;
	s10 =	smul.u32 $0x50000, s11  }
0x7: {  	s4 =	simm.s32 $0x0;
	s15 =	sadd.s32 $0xE00, s1;
	s18 =	smul.u32 $0x7000, s11  }
0x8: {  	s8 =	sshll.u32 s11, $0x1;
	s5 =	smul.u32 $0x140000, s6;
	[smem:$0x7FF] =	sst s4  }
0x9: {  	s9 =	ssub.s32 $0x2, s6;
	s8 =	sor.u32 s6, s8;
	s6 =	smul.u32 $0x3800, s6  }
0xa: {  	_ =	strace $0x80000047;
	s16 =	sshrl.u32 s9, $0x1;
	s8 =	smul.u32 $0x3800, s8  }
0xb: {  	s17 =	sshrl.u32 s10, $0x2;
	s5 =	sadd.s32 s7, s5;
	s9 =	ssub.s32 s9, s16  }
0xc: {  	s5 =	sshrl.u32 s5, $0x3;
	s8 =	sshrl.u32 s8, $0x3;
	s21 =	smax.u32 s9, $0x1  }
0xd: {  	s1 =	sadd.s32 s5, s1;
	s19 =	sadd.s32 s2, s8;
	[dreg:$0x9] =	wrdreg s21  }
0xe: {  	s5 =	sadd.s32 s17, s3;
	s8 =	sadd.s32 s15, s8;
	[dreg:$0x5] =	wrdreg s19  }
0xf: {  	s30 =	simm.s32 $0x0;
	[dreg:$0x6] =	wrdreg s8;
	s20 =	sadd.s32 $0x12C00, s5  }
0x10: {  	s22 =	sadd.s32 s6, s18;
	s1 =	sadd.s32 $0xEE00, s1;
	[dreg:$0x7] =	wrdreg s20  }
0x11: {  	s18 =	simm.s32 $0x800;
	s23 =	sadd.s32 $0x3C00, s5;
	[dreg:$0x8] =	wrdreg s1  }
0x12: {  	s21 =	simm.s32 $0x4400;
	s24 =	sadd.s32 $0x7800, s5;
	[dreg:$0xa] =	wrdreg s23  }
0x13: {  	s25 =	sadd.s32 $0xB400, s5;
	s26 =	sadd.s32 $0xF000, s5;
	[dreg:$0xb] =	wrdreg s24  }
0x14: {  	s19 =	simm.s32 $0x9;
	s1 =	sor.u32 $0x200, s22;
	[dreg:$0xc] =	wrdreg s25  }
0x15: {  	[dreg:$0xd] =	wrdreg s26;
	s20 =	simm.s32 $0x78;
	s22 =	simm.s32 $0x8000  }
0x16: {  	s23 =	simm.s32 $0x1;
	s24 =	simm.s32 $0x2;
	s31 =	sshrl.u32 s1, $0x3  }
0x17: {  	v0 =	vimm.f32 $0.0e+00;
	s25 =	simm.s32 $0x3;
	s1 =	sadd.s32 s31, s15;
	s16 =	sadd.s32 s31, s2  }
.LBB2_1:
0x18: {  	s2 =	rddreg [dreg:$0x5]  }
0x19: {  	s17 =	rddreg [dreg:$0x6];
	s26 =	sand.u32 $0xFE00, s4  }
0x1a: {  	[tilespmem:s4], [sflag:$0x7] =	stream.linear.gather [hbm4b:s2+s4], $0x180, $0x38;
	[tilespmem:$0x1FC00] =	vst v63  }
0x1b: {  	s6 =	simm.s32 $0x400;
	s31 =	sand.u32 $0x70, s4;
	s7 =	sshrl.u32 s26, $0x2  }
0x1c: {  	[tilespmem:s6], [sflag:$0x7] =	stream.linear.gather [hbm4b:s17+s4], $0x180, $0x38;
	[tilespmem:$0x1FC00] =	vst v63  }
0x1d: {  	s2 =	simm.s32 $0x40;
	s7 =	sor.u32 s31, s7;
	s6 =	simm.s32 $0x0  }
.LBB2_2:
0x1e: {  	p0 =	sne.s32 s2, $0xEFC0  }
0x1f: {  	[tilespmem:s7+$0x800] =	vst v0;
	s6 =	sadd.s32 $0x10, s6;
	s7 =	smov.u32 s2;
	s2 =	sadd.s32 $0x40, s2  }
.Ltmp0:
0x20: {  	(pc) =	sbr.rel @p0 .LBB2_2-.Ltmp0, $4  }
0x21: {  	_ = 	snop  }
0x22: {  	s7 =	sand.u32 $0xFE00, s7  }
0x23: {  	s8 =	sand.u32 $0x70, s6;
	s7 =	sshrl.u32 s7, $0x2  }
0x24: {  	s7 =	sor.u32 s8, s7  }
0x25: {  	[tilespmem:s7+$0x800] =	vst v0  }
0x26: {  	[spmem:s5] =	stream.linear.scatter [tilespmem:s18], [sflag:$0x9], $0x3C00, $0x38;
	[tilespmem:$0x1FC00] =	vst v63  }
0x27: {  	_ =	swait.ge [sflag:s19], $0x3C00  }
0x28: {  	[sflag:s19] =	ssyncset.done $0x0  }
0x29: {  	s2 =	rddreg [dreg:$0xa];
	[sflag:s19] =	ssyncadd.s32 $0xFFFFC400  }
0x2a: {  	[spmem:s2] =	stream.linear.scatter [tilespmem:s18], [sflag:$0x9], $0x3C00, $0x38;
	[tilespmem:$0x1FC00] =	vst v63  }
0x2b: {  	_ =	swait.ge [sflag:s19], $0x3C00  }
0x2c: {  	[sflag:s19] =	ssyncset.done $0x0  }
0x2d: {  	s13 =	rddreg [dreg:$0xb];
	[sflag:s19] =	ssyncadd.s32 $0xFFFFC400  }
0x2e: {  	[spmem:s13] =	stream.linear.scatter [tilespmem:s18], [sflag:$0x9], $0x3C00, $0x38;
	[tilespmem:$0x1FC00] =	vst v63  }
0x2f: {  	_ =	swait.ge [sflag:s19], $0x3C00  }
0x30: {  	[sflag:s19] =	ssyncset.done $0x0  }
0x31: {  	s14 =	rddreg [dreg:$0xc];
	[sflag:s19] =	ssyncadd.s32 $0xFFFFC400  }
0x32: {  	[spmem:s14] =	stream.linear.scatter [tilespmem:s18], [sflag:$0x9], $0x3C00, $0x38;
	[tilespmem:$0x1FC00] =	vst v63  }
0x33: {  	_ =	swait.ge [sflag:s19], $0x3C00  }
0x34: {  	[sflag:s19] =	ssyncset.done $0x0  }
0x35: {  	s15 =	rddreg [dreg:$0xd];
	[sflag:s19] =	ssyncadd.s32 $0xFFFFC400  }
0x36: {  	[spmem:s15] =	stream.linear.scatter [tilespmem:s18], [sflag:$0x9], $0x3C00, $0x38;
	[tilespmem:$0x1FC00] =	vst v63  }
0x37: {  	_ =	swait.ge [sflag:s19], $0x3C00  }
0x38: {  	[sflag:s19] =	ssyncset.done $0x0  }
0x39: {  	s17 =	rddreg [dreg:$0x7];
	[sflag:s19] =	ssyncadd.s32 $0xFFFFC400  }
0x3a: {  	[spmem:s17] =	stream.linear.scatter [tilespmem:s18], [sflag:$0x9], $0x1400, $0x38;
	[tilespmem:$0x1FC00] =	vst v63  }
0x3b: {  	s26 =	simm.s32 $0x0;
	_ =	swait.ge [sflag:s19], $0x1400  }
0x3c: {  	s2 =	sand.u32 $0x1, s26;
	[sflag:s19] =	ssyncset.done $0x0  }
0x3d: {  	p0 =	seq.s32 s2, $0x1;
	[sflag:s19] =	ssyncadd.s32 $0xFFFFEC00  }
0x3e: {  	s2 =	simm.s32 @p0 $0x8;
	[bflag:$0x0] =	sbarrier.arrive $0xFFFF  }
0x3f: {  	_ =	swait.ge @p0 [sflag:s2], $0x180  }
0x40: {  	[sflag:s2] =	ssyncset.done @p0 $0x0  }
0x41: {  	[sflag:s2] =	ssyncadd.s32 @p0 $0xFFFFFE80  }
0x42: {  	_ =	swait.ge @p0 [sflag:s2], $0x180  }
0x43: {  	[sflag:s2] =	ssyncset.done @p0 $0x0  }
0x44: {  	s6 =	simm.s32 @p0 $0x4;
	[sflag:s2] =	ssyncadd.s32 @p0 $0xFFFFFE80  }
0x45: {  	_ =	swait.ge @p0 [sflag:s6], $0x3C00  }
0x46: {  	[sflag:s6] =	ssyncset.done @p0 $0x0  }
0x47: {  	s2 =	simm.s32 @p0 $0x5;
	[sflag:s6] =	ssyncadd.s32 @p0 $0xFFFFC400  }
0x48: {  	_ =	swait.ge @p0 [sflag:s2], $0x3C00  }
0x49: {  	[sflag:s2] =	ssyncset.done @p0 $0x0  }
0x4a: {  	s6 =	simm.s32 @p0 $0x6;
	[sflag:s2] =	ssyncadd.s32 @p0 $0xFFFFC400  }
0x4b: {  	p1 =	por @p0 $0x0, $0x0;
	_ =	swait.ge @p0 [sflag:s6], $0x3C00  }
0x4c: {  	p2 =	por p1, !p0;
	[sflag:s6] =	ssyncset.done @p0 $0x0  }
0x4d: {  	s2 =	simm.s32 @!p2 $0x0;
	[sflag:s6] =	ssyncadd.s32 @p0 $0xFFFFC400  }
0x4e: {  	[tilespmem:s2], [sflag:$0x7] =	stream.linear.gather @!p2 [hbm4b:s16+s2], $0x180, $0x38;
	[tilespmem:$0x1FC00] =	vst v63  }
0x4f: {  	s7 =	simm.s32 @!p0 $0x7;
	s6 =	simm.s32 @!p2 $0x400  }
0x50: {  	[tilespmem:s6], [sflag:$0x7] =	stream.linear.gather @!p2 [hbm4b:s1+s2], $0x180, $0x38;
	[tilespmem:$0x1FC00] =	vst v63  }
0x51: {  	_ =	swait.ge @!p0 [sflag:s7], $0x180  }
0x52: {  	[sflag:s7] =	ssyncset.done @!p0 $0x0  }
0x53: {  	[sflag:s7] =	ssyncadd.s32 @!p0 $0xFFFFFE80  }
0x54: {  	p2 =	por @!p0 $0x1, $0x1;
	_ =	swait.ge @!p0 [sflag:s7], $0x180  }
0x55: {  	p2 =	por p2, p0;
	[sflag:s7] =	ssyncset.done @!p0 $0x0  }
0x56: {  	s2 =	simm.s32 @!p2 $0x4;
	[sflag:s7] =	ssyncadd.s32 @!p0 $0xFFFFFE80  }
0x57: {  	_ =	swait.ge @!p2 [sflag:s2], $0x3C00  }
0x58: {  	[sflag:s2] =	ssyncset.done @!p2 $0x0  }
0x59: {  	s6 =	simm.s32 @!p2 $0x5;
	[sflag:s2] =	ssyncadd.s32 @!p2 $0xFFFFC400  }
0x5a: {  	s31 =	sadd.s32 $0x40, s16;
	s9 =	simm.s32 @p0 $0x300;
	_ =	swait.ge @!p2 [sflag:s6], $0x3C00  }
0x5b: {  	s10 =	simm.s32 @p0 $0x280;
	s8 =	simm.s32 @!p0 $0x0;
	[sflag:s6] =	ssyncset.done @!p2 $0x0  }
0x5c: {  	p1 =	por !p1, !p0;
	s7 =	simm.s32 @!p2 $0x6;
	[sflag:s6] =	ssyncadd.s32 @!p2 $0xFFFFC400  }
0x5d: {  	s11 =	simm.s32 @!p0 $0x200;
	s9 =	simm.s32 @p1 $0x300;
	_ =	swait.ge @!p2 [sflag:s7], $0x3C00  }
0x5e: {  	s13 =	simm.s32 @p0 $0x680;
	s10 =	simm.s32 @p1 $0x280;
	[sflag:s7] =	ssyncset.done @!p2 $0x0  }
0x5f: {  	s9 =	simm.s32 @!p0 $0x100;
	s2 =	simm.s32 @p0 $0x200;
	[sflag:s7] =	ssyncadd.s32 @!p2 $0xFFFFC400  }
0x60: {  	[tilespmem:s11], [sflag:$0x8] =	stream.linear.gather @!p0 [hbm4b:s16+s8], $0x180, $0x38;
	[tilespmem:$0x1FC00] =	vst v63  }
0x61: {  	s10 =	simm.s32 @!p0 $0x80;
	s2 =	simm.s32 @p1 $0x200;
	s7 =	simm.s32 @!p0 $0x600  }
0x62: {  	[tilespmem:s7], [sflag:$0x8] =	stream.linear.gather @!p0 [hbm4b:s1+s8], $0x180, $0x38;
	[tilespmem:$0x1FC00] =	vst v63  }
0x63: {  	s13 =	simm.s32 @p1 $0x680;
	s2 =	simm.s32 @!p0 $0x0;
	s6 =	simm.s32 @p0 $0x600  }
0x64: {  	[tilespmem:s18], [sflag:$0x1] =	stream.indirect.gather [hbm4b:s0+s20], $0x80, s2, s20, $0xb8;
	[tilespmem:$0x1FC00] =	vst v63  }
0x65: {  	s13 =	simm.s32 @!p0 $0x480;
	s15 =	smov.u32 s1;
	s6 =	simm.s32 @p1 $0x600  }
0x66: {  	[tilespmem:s21], [sflag:$0x2] =	stream.indirect.gather [hbm4b:s0+s20], $0x80, s10, s20, $0xb8;
	[tilespmem:$0x1FC00] =	vst v63  }
0x67: {  	s17 =	simm.s32 $0x1;
	s6 =	simm.s32 @!p0 $0x400;
	s7 =	simm.s32 @p0 $0x700  }
0x68: {  	[tilespmem:s22], [sflag:$0x3] =	stream.indirect.gather [hbm4b:s0+s20], $0x80, s9, s20, $0xb8;
	[tilespmem:$0x1FC00] =	vst v63  }
0x69: {  	s7 =	simm.s32 @p1 $0x700;
	s2 =	simm.s32 $0x2;
	_ =	swait.ge [sflag:s23], $0x3C00  }
0x6a: {  	s7 =	simm.s32 @!p0 $0x500;
	s9 =	sand.u32 $0x1, s17;
	[sflag:s23] =	ssyncset.done $0x0  }
.LBB2_4:
0x6b: {  	p0 =	seq.s32 s9, $0x1;
	s15 =	sadd.s32 $0x40, s15;
	s12 =	smov.u32 s2  }
0x6c: {  	s2 =	sadd.s32 $0x1, s2;
	s8 =	simm.s32 @p0 $0x680;
	s9 =	simm.s32 @p0 $0x300  }
0x6d: {  	[sflag:s23] =	ssyncadd.s32 $0xFFFFC400;
	p3 =	seq.s32 @p0 s17, $0x1B;
	p2 =	seq.s32 @!p0 s17, $0x0  }
0x6e: {  	[spmem:s3] =	stream.indirect.scatter.add.f32 [tilespmem:s18], [sflag:$0x4], $0x80, s6, s20, $0xb8;
	[tilespmem:$0x1FC00] =	vst v63  }
0x6f: {  	s10 =	simm.s32 @p0 $0x200;
	s17 =	simm.s32 @p0 $0x700;
	_ =	swait.ge [sflag:s24], $0x3C00  }
0x70: {  	s11 =	simm.s32 @p0 $0x280;
	p1 =	por !p3, !p0;
	[sflag:s24] =	ssyncset.done $0x0  }
0x71: {  	s14 =	simm.s32 @p0 $0x8;
	s10 =	simm.s32 @p1 $0x200;
	[sflag:s24] =	ssyncadd.s32 $0xFFFFC400  }
0x72: {  	[spmem:s3] =	stream.indirect.scatter.add.f32 [tilespmem:s21], [sflag:$0x5], $0x80, s13, s20, $0xb8;
	[tilespmem:$0x1FC00] =	vst v63  }
0x73: {  	s26 =	simm.s32 @p0 $0x4;
	s10 =	simm.s32 @!p0 $0x0;
	_ =	swait.ge [sflag:s25], $0x3C00  }
0x74: {  	s6 =	simm.s32 @p0 $0x600;
	s9 =	simm.s32 @p1 $0x300;
	[sflag:s25] =	ssyncset.done $0x0  }
0x75: {  	s6 =	simm.s32 @p1 $0x600;
	s8 =	simm.s32 @p1 $0x680;
	[sflag:s25] =	ssyncadd.s32 $0xFFFFC400  }
0x76: {  	[spmem:s3] =	stream.indirect.scatter.add.f32 [tilespmem:s22], [sflag:$0x6], $0x80, s7, s20, $0xb8;
	[tilespmem:$0x1FC00] =	vst v63  }
0x77: {  	s9 =	simm.s32 @!p0 $0x100;
	s6 =	simm.s32 @!p0 $0x400;
	_ =	swait.ge @p0 [sflag:s14], $0x180  }
0x78: {  	s17 =	simm.s32 @p1 $0x700;
	s13 =	smov.u32 s8;
	[sflag:s14] =	ssyncset.done @p0 $0x0  }
0x79: {  	s13 =	simm.s32 @!p0 $0x480;
	s7 =	smov.u32 s17;
	[sflag:s14] =	ssyncadd.s32 @p0 $0xFFFFFE80  }
0x7a: {  	s11 =	simm.s32 @p1 $0x280;
	s7 =	simm.s32 @!p0 $0x500;
	_ =	swait.ge @p0 [sflag:s14], $0x180  }
0x7b: {  	s11 =	simm.s32 @!p0 $0x80;
	s8 =	simm.s32 @p0 $0x5;
	[sflag:s14] =	ssyncset.done @p0 $0x0  }
0x7c: {  	p1 =	sne.s32 s2, $0x1C;
	s17 =	smov.u32 s12;
	[sflag:s14] =	ssyncadd.s32 @p0 $0xFFFFFE80  }
0x7d: {  	_ =	swait.ge @p0 [sflag:s26], $0x3C00  }
0x7e: {  	s12 =	simm.s32 @p0 $0x6;
	[sflag:s26] =	ssyncset.done @p0 $0x0  }
0x7f: {  	[sflag:s26] =	ssyncadd.s32 @p0 $0xFFFFC400  }
0x80: {  	p3 =	por p3, !p0;
	_ =	swait.ge @p0 [sflag:s8], $0x3C00  }
0x81: {  	s14 =	simm.s32 @!p3 $0x0;
	[sflag:s8] =	ssyncset.done @p0 $0x0  }
0x82: {  	[sflag:s8] =	ssyncadd.s32 @p0 $0xFFFFC400  }
0x83: {  	_ =	swait.ge @p0 [sflag:s12], $0x3C00  }
0x84: {  	[sflag:s12] =	ssyncset.done @p0 $0x0  }
0x85: {  	[sflag:s12] =	ssyncadd.s32 @p0 $0xFFFFC400  }
0x86: {  	[tilespmem:s14], [sflag:$0x7] =	stream.linear.gather @!p3 [hbm4b:s31+s14], $0x180, $0x38;
	[tilespmem:$0x1FC00] =	vst v63  }
0x87: {  	s8 =	simm.s32 @!p3 $0x400;
	s12 =	simm.s32 @!p0 $0x7  }
0x88: {  	[tilespmem:s8], [sflag:$0x7] =	stream.linear.gather @!p3 [hbm4b:s15+s14], $0x180, $0x38;
	[tilespmem:$0x1FC00] =	vst v63  }
0x89: {  	p2 =	por p2, p0;
	_ =	swait.ge @!p0 [sflag:s12], $0x180  }
0x8a: {  	s8 =	simm.s32 @!p2 $0x4;
	[sflag:s12] =	ssyncset.done @!p0 $0x0  }
0x8b: {  	[sflag:s12] =	ssyncadd.s32 @!p0 $0xFFFFFE80  }
0x8c: {  	_ =	swait.ge @!p0 [sflag:s12], $0x180  }
0x8d: {  	s14 =	simm.s32 @!p2 $0x5;
	[sflag:s12] =	ssyncset.done @!p0 $0x0  }
0x8e: {  	[sflag:s12] =	ssyncadd.s32 @!p0 $0xFFFFFE80  }
0x8f: {  	_ =	swait.ge @!p2 [sflag:s8], $0x3C00  }
0x90: {  	s12 =	simm.s32 @!p2 $0x6;
	[sflag:s8] =	ssyncset.done @!p2 $0x0  }
0x91: {  	[sflag:s8] =	ssyncadd.s32 @!p2 $0xFFFFC400  }
0x92: {  	_ =	swait.ge @!p2 [sflag:s14], $0x3C00  }
0x93: {  	s26 =	simm.s32 @!p0 $0x200;
	s8 =	simm.s32 @!p0 $0x0;
	[sflag:s14] =	ssyncset.done @!p2 $0x0  }
0x94: {  	[sflag:s14] =	ssyncadd.s32 @!p2 $0xFFFFC400  }
0x95: {  	_ =	swait.ge @!p2 [sflag:s12], $0x3C00  }
0x96: {  	[sflag:s12] =	ssyncset.done @!p2 $0x0  }
0x97: {  	[sflag:s12] =	ssyncadd.s32 @!p2 $0xFFFFC400  }
0x98: {  	[tilespmem:s26], [sflag:$0x8] =	stream.linear.gather @!p0 [hbm4b:s31+s8], $0x180, $0x38;
	[tilespmem:$0x1FC00] =	vst v63  }
0x99: {  	s12 =	simm.s32 @!p0 $0x600  }
0x9a: {  	[tilespmem:s12], [sflag:$0x8] =	stream.linear.gather @!p0 [hbm4b:s15+s8], $0x180, $0x38;
	[tilespmem:$0x1FC00] =	vst v63  }
0x9b: {  	_ = 	snop  }
0x9c: {  	[tilespmem:s18], [sflag:$0x1] =	stream.indirect.gather [hbm4b:s0+s20], $0x80, s10, s20, $0xb8;
	[tilespmem:$0x1FC00] =	vst v63  }
0x9d: {  	_ = 	snop  }
0x9e: {  	[tilespmem:s21], [sflag:$0x2] =	stream.indirect.gather [hbm4b:s0+s20], $0x80, s11, s20, $0xb8;
	[tilespmem:$0x1FC00] =	vst v63  }
.Ltmp1:
0x9f: {  	_ = 	snop;
	(pc) =	sbr.rel @p1 .LBB2_4-.Ltmp1, $4  }
0xa0: {  	_ = 	snop  }
0xa1: {  	[tilespmem:s22], [sflag:$0x3] =	stream.indirect.gather [hbm4b:s0+s20], $0x80, s9, s20, $0xb8;
	[tilespmem:$0x1FC00] =	vst v63  }
0xa2: {  	_ =	swait.ge [sflag:s23], $0x3C00  }
0xa3: {  	s31 =	sadd.s32 $0x40, s31;
	s9 =	sand.u32 $0x1, s17;
	[sflag:s23] =	ssyncset.done $0x0  }
0xa4: {  	[sflag:s23] =	ssyncadd.s32 $0xFFFFC400  }
0xa5: {  	[spmem:s3] =	stream.indirect.scatter.add.f32 [tilespmem:s18], [sflag:$0x4], $0x80, s6, s20, $0xb8;
	[tilespmem:$0x1FC00] =	vst v63  }
0xa6: {  	_ =	swait.ge [sflag:s24], $0x3C00  }
0xa7: {  	[sflag:s24] =	ssyncset.done $0x0  }
0xa8: {  	[sflag:s24] =	ssyncadd.s32 $0xFFFFC400  }
0xa9: {  	[spmem:s3] =	stream.indirect.scatter.add.f32 [tilespmem:s21], [sflag:$0x5], $0x80, s13, s20, $0xb8;
	[tilespmem:$0x1FC00] =	vst v63  }
0xaa: {  	_ =	swait.ge [sflag:s25], $0x3C00  }
0xab: {  	p0 =	seq.s32 s9, $0x1;
	[sflag:s25] =	ssyncset.done $0x0  }
0xac: {  	s2 =	simm.s32 @p0 $0x8;
	[sflag:s25] =	ssyncadd.s32 $0xFFFFC400  }
0xad: {  	[spmem:s3] =	stream.indirect.scatter.add.f32 [tilespmem:s22], [sflag:$0x6], $0x80, s7, s20, $0xb8;
	[tilespmem:$0x1FC00] =	vst v63  }
0xae: {  	_ =	swait.ge @p0 [sflag:s2], $0x180  }
0xaf: {  	[sflag:s2] =	ssyncset.done @p0 $0x0  }
0xb0: {  	[sflag:s2] =	ssyncadd.s32 @p0 $0xFFFFFE80  }
0xb1: {  	_ =	swait.ge @p0 [sflag:s2], $0x180  }
0xb2: {  	[sflag:s2] =	ssyncset.done @p0 $0x0  }
0xb3: {  	s6 =	simm.s32 @p0 $0x4;
	[sflag:s2] =	ssyncadd.s32 @p0 $0xFFFFFE80  }
0xb4: {  	_ =	swait.ge @p0 [sflag:s6], $0x3C00  }
0xb5: {  	[sflag:s6] =	ssyncset.done @p0 $0x0  }
0xb6: {  	s2 =	simm.s32 @p0 $0x5;
	[sflag:s6] =	ssyncadd.s32 @p0 $0xFFFFC400  }
0xb7: {  	_ =	swait.ge @p0 [sflag:s2], $0x3C00  }
0xb8: {  	[sflag:s2] =	ssyncset.done @p0 $0x0  }
0xb9: {  	s6 =	simm.s32 @p0 $0x6;
	[sflag:s2] =	ssyncadd.s32 @p0 $0xFFFFC400  }
0xba: {  	p1 =	seq.s32 @p0 s17, $0x1B;
	_ =	swait.ge @p0 [sflag:s6], $0x3C00  }
0xbb: {  	p2 =	por p1, !p0;
	[sflag:s6] =	ssyncset.done @p0 $0x0  }
0xbc: {  	s2 =	simm.s32 @!p2 $0x0;
	[sflag:s6] =	ssyncadd.s32 @p0 $0xFFFFC400  }
0xbd: {  	[tilespmem:s2], [sflag:$0x7] =	stream.linear.gather @!p2 [hbm4b:s31+s2], $0x180, $0x38;
	[tilespmem:$0x1FC00] =	vst v63  }
0xbe: {  	s7 =	simm.s32 @!p2 $0x400;
	s6 =	sadd.s32 $0x40, s15  }
0xbf: {  	[tilespmem:s7], [sflag:$0x7] =	stream.linear.gather @!p2 [hbm4b:s6+s2], $0x180, $0x38;
	[tilespmem:$0x1FC00] =	vst v63  }
0xc0: {  	s2 =	simm.s32 @!p0 $0x7  }
0xc1: {  	_ =	swait.ge @!p0 [sflag:s2], $0x180  }
0xc2: {  	[sflag:s2] =	ssyncset.done @!p0 $0x0  }
0xc3: {  	[sflag:s2] =	ssyncadd.s32 @!p0 $0xFFFFFE80  }
0xc4: {  	p2 =	seq.s32 @!p0 s17, $0x0;
	_ =	swait.ge @!p0 [sflag:s2], $0x180  }
0xc5: {  	p2 =	por p2, p0;
	[sflag:s2] =	ssyncset.done @!p0 $0x0  }
0xc6: {  	s7 =	simm.s32 @!p2 $0x4;
	[sflag:s2] =	ssyncadd.s32 @!p0 $0xFFFFFE80  }
0xc7: {  	_ =	swait.ge @!p2 [sflag:s7], $0x3C00  }
0xc8: {  	[sflag:s7] =	ssyncset.done @!p2 $0x0  }
0xc9: {  	s2 =	simm.s32 @!p2 $0x5;
	[sflag:s7] =	ssyncadd.s32 @!p2 $0xFFFFC400  }
0xca: {  	_ =	swait.ge @!p2 [sflag:s2], $0x3C00  }
0xcb: {  	[sflag:s2] =	ssyncset.done @!p2 $0x0  }
0xcc: {  	s7 =	simm.s32 @!p2 $0x6;
	[sflag:s2] =	ssyncadd.s32 @!p2 $0xFFFFC400  }
0xcd: {  	_ =	swait.ge @!p2 [sflag:s7], $0x3C00  }
0xce: {  	[sflag:s7] =	ssyncset.done @!p2 $0x0  }
0xcf: {  	s2 =	simm.s32 @!p0 $0x0;
	[sflag:s7] =	ssyncadd.s32 @!p2 $0xFFFFC400;
	s7 =	simm.s32 @!p0 $0x200  }
0xd0: {  	[tilespmem:s7], [sflag:$0x8] =	stream.linear.gather @!p0 [hbm4b:s31+s2], $0x180, $0x38;
	[tilespmem:$0x1FC00] =	vst v63  }
0xd1: {  	s7 =	simm.s32 @!p0 $0x600  }
0xd2: {  	[tilespmem:s7], [sflag:$0x8] =	stream.linear.gather @!p0 [hbm4b:s6+s2], $0x180, $0x38;
	[tilespmem:$0x1FC00] =	vst v63  }
0xd3: {  	p1 =	por !p1, !p0;
	s2 =	simm.s32 @p0 $0x200  }
0xd4: {  	s2 =	simm.s32 @p1 $0x200  }
0xd5: {  	s6 =	simm.s32 @p0 $0x280;
	s2 =	simm.s32 @!p0 $0x0  }
0xd6: {  	[tilespmem:s18], [sflag:$0x1] =	stream.indirect.gather [hbm4b:s0+s20], $0x80, s2, s20, $0xb8;
	[tilespmem:$0x1FC00] =	vst v63  }
0xd7: {  	s6 =	simm.s32 @p1 $0x280;
	s2 =	simm.s32 @p0 $0x300  }
0xd8: {  	s6 =	simm.s32 @!p0 $0x80;
	s2 =	simm.s32 @p1 $0x300  }
0xd9: {  	[tilespmem:s21], [sflag:$0x2] =	stream.indirect.gather [hbm4b:s0+s20], $0x80, s6, s20, $0xb8;
	[tilespmem:$0x1FC00] =	vst v63  }
0xda: {  	s2 =	simm.s32 @!p0 $0x100  }
0xdb: {  	[tilespmem:s22], [sflag:$0x3] =	stream.indirect.gather [hbm4b:s0+s20], $0x80, s2, s20, $0xb8;
	[tilespmem:$0x1FC00] =	vst v63  }
0xdc: {  	s2 =	simm.s32 @p0 $0x600;
	_ =	swait.ge [sflag:s23], $0x3C00  }
0xdd: {  	s2 =	simm.s32 @p1 $0x600;
	[sflag:s23] =	ssyncset.done $0x0  }
0xde: {  	s2 =	simm.s32 @!p0 $0x400;
	[sflag:s23] =	ssyncadd.s32 $0xFFFFC400  }
0xdf: {  	[spmem:s3] =	stream.indirect.scatter.add.f32 [tilespmem:s18], [sflag:$0x4], $0x80, s2, s20, $0xb8;
	[tilespmem:$0x1FC00] =	vst v63  }
0xe0: {  	s2 =	simm.s32 @p0 $0x680;
	_ =	swait.ge [sflag:s24], $0x3C00  }
0xe1: {  	s2 =	simm.s32 @p1 $0x680;
	[sflag:s24] =	ssyncset.done $0x0  }
0xe2: {  	s2 =	simm.s32 @!p0 $0x480;
	[sflag:s24] =	ssyncadd.s32 $0xFFFFC400  }
0xe3: {  	[spmem:s3] =	stream.indirect.scatter.add.f32 [tilespmem:s21], [sflag:$0x5], $0x80, s2, s20, $0xb8;
	[tilespmem:$0x1FC00] =	vst v63  }
0xe4: {  	s2 =	simm.s32 @p0 $0x700;
	_ =	swait.ge [sflag:s25], $0x3C00  }
0xe5: {  	s2 =	simm.s32 @p1 $0x700;
	[sflag:s25] =	ssyncset.done $0x0  }
0xe6: {  	s14 =	simm.s32 $0x4;
	s2 =	simm.s32 @!p0 $0x500;
	[sflag:s25] =	ssyncadd.s32 $0xFFFFC400  }
0xe7: {  	[spmem:s3] =	stream.indirect.scatter.add.f32 [tilespmem:s22], [sflag:$0x6], $0x80, s2, s20, $0xb8;
	[tilespmem:$0x1FC00] =	vst v63  }
0xe8: {  	_ =	swait.ge [sflag:s14], $0x3C00  }
0xe9: {  	[sflag:s14] =	ssyncset.done $0x0  }
0xea: {  	[sflag:s14] =	ssyncadd.s32 $0xFFFFC400  }
0xeb: {  	_ =	swait.ge [sflag:s28], $0x3C00  }
0xec: {  	[sflag:s28] =	ssyncset.done $0x0  }
0xed: {  	[sflag:s28] =	ssyncadd.s32 $0xFFFFC400  }
0xee: {  	_ =	swait.ge [sflag:s29], $0x3C00  }
0xef: {  	[sflag:s29] =	ssyncset.done $0x0  }
0xf0: {  	s15 =	stileid.u32;
	[sflag:s29] =	ssyncadd.s32 $0xFFFFC400  }
0xf1: {  	s2 =	sshll.u32 s15, $0x6;
	[bflag:$0x0] =	sbarrier.arrive $0xFFFF  }
0xf2: {  	s17 =	sshrl.u32 s5, $0x3;
	s2 =	sor.u32 $0x1C09, s2;
	s26 =	rddreg [dreg:$0x8]  }
0xf3: {  	[hbm:s26], [sflag:s2] =	dma.local [spmem:s17], $0x2800  }
0xf4: {  	_ =	swait.ge [sflag:s19], $0x2800  }
0xf5: {  	s30 =	sadd.s32 $0x1, s30;
	s31 =	rddreg [dreg:$0x9]  }
0xf6: {  	p0 =	sne.s32 s30, s31  }
.Ltmp2:
0xf7: {  	_ = 	snop;
	(pc) =	sbr.rel @p0 .LBB2_1-.Ltmp2, $3  }
0xf8: {  	_ =	sdelay $0x1  }
0xf9: {  	[sflag:s19] =	ssyncset.done $0x0  }
0xfa: {  	[sflag:s19] =	ssyncadd.s32 $0xFFFFD800  }
0xfb: {  	_ =	sfence.sel $0x180000  }
0xfc: {  	[bflag:$0x0] =	sbarrier.arrive $0xFFFF  }
0xfd: {  	_ =	strace $0x90000047  }
0xfe: {  	s0 =	stileid.u32;
	[bflag:$0x2] =	sbarrier.arrive $0xFFFF  }
0xff: {  	p0 =	sne.s32 s0, $0x0;
	s0 =	rddreg [dreg:$0x4]  }
0x100: {  	s0 =	sadd.s32 @!p0 $0x100000, s0  }
0x101: {  	[sflag:s0] =	ssyncadd.tile.s32 @!p0 $0x1;
	_ =	shalt  }
.Lfunc_end2:
_tile_overlayer_lowered:
.L_overlay_start_2:
0x102: {  	(tag) =	ssettag $0x2  }
0x103: {  	s0 =	rddreg [dreg:$0x0];
	s2 =	stileid.u32  }
0x104: {  	s1 =	rddreg [dreg:$0x1];
	p0 =	sne.s32 s2, $0x0  }
0x105: {  	s3 =	rddreg [dreg:$0x2];
	[bflag:$0x3] =	sbarrier.arrive $0xFFFF;
	s2 =	simm.s32 @!p0 $0x1C09  }
0x106: {  	[timem:s3], [sflag:s2] =	dma.local @!p0 [hbm:s0], s1  }
0x107: {  	s0 =	simm.s32 @!p0 $0x9  }
0x108: {  	_ =	swait.ge @!p0 [sflag:s0], s1  }
0x109: {  	s1 =	ssub.s32 @!p0 $0x0, s1;
	[sflag:s0] =	ssyncset.done @!p0 $0x0  }
0x10a: {  	[sflag:s0] =	ssyncadd.s32 @!p0 s1  }
0x10b: {  	[bflag:$0x3] =	sbarrier.arrive $0xFFFF  }
0x10c: {  	_ =	shalt  }

</sc_bundles>
